<compile_context>
chip_gen: v7x
topology: tpu7x:2x2x1
jax: 0.10.2.dev20260603
libtpu: 0.0.44.dev20260713+nightly
codegen_flags: <defaults>
</compile_context>

<pallas_src>
import functools

import jax
import jax.numpy as jnp
from jax import lax
from jax.experimental import pallas as pl
from jax.experimental.pallas import tpu as pltpu
from jax.experimental.pallas import tpu_sc as plsc

NC = 2
NS = 16
NW = NC * NS

LANES = 16
LG = 4
DEPTH = 2


@functools.lru_cache(maxsize=None)
def _emb_call(n_b: int, n_l: int, d: int):
    assert d == 2 * LANES
    b_per_w = n_b // NW
    assert b_per_w * NW == n_b and b_per_w == 128
    n_g = n_l // (LG * DEPTH) * DEPTH
    assert n_g * LG == n_l

    mesh = plsc.VectorSubcoreMesh(
        core_axis_name="c", subcore_axis_name="s",
        num_cores=NC, num_subcores=NS)

    @functools.partial(
        pl.kernel,
        out_type=jax.ShapeDtypeStruct(
            (n_l, d // 8, n_b // 128, 8, 128), jnp.float32),
        mesh=mesh,
        scratch_types=[
            pltpu.VMEM((n_g, LG * b_per_w), jnp.int32),
            [pltpu.VMEM((LG * b_per_w, d), jnp.float32)] * DEPTH,
            [pltpu.VMEM((LG, d // 8, 8, b_per_w + 1), jnp.float32)] * DEPTH,
            pltpu.VMEM((n_l, d), jnp.float32),
            [pltpu.SemaphoreType.DMA] * DEPTH,
            [pltpu.SemaphoreType.DMA] * DEPTH,
        ],
        compiler_params=pltpu.CompilerParams(
            use_tc_tiling_on_sc=False, needs_layout_passes=False,
            skip_device_barrier=True),
    )
    def run(idx_hbm, table_hbm, pos_hbm, out_hbm,
            idx_v, rows_v, outt_v, pos_v, gsem, osem):
        wid = lax.axis_index("s") * NC + lax.axis_index("c")
        b0 = pl.multiple_of(wid * b_per_w, b_per_w)
        pltpu.sync_copy(pos_hbm, pos_v)
        pltpu.sync_copy(idx_hbm.at[wid], idx_v)

        def fire(g, k):
            pltpu.async_copy(table_hbm.at[idx_v.at[g]], rows_v[k], gsem[k])

        for k in range(DEPTH):
            fire(k, k)

        iota = lax.iota(jnp.int32, LANES)
        sub0 = lax.rem(iota, 8)
        tr0 = iota // 8
        tr1 = tr0 + 2

        def handle(g, k):
            l0 = pl.multiple_of(g * LG, LG)
            pltpu.make_async_copy(
                table_hbm.at[idx_v.at[g]], rows_v[k], gsem[k]).wait()
            @pl.when(g >= DEPTH)
            def _():
                pltpu.make_async_copy(
                    outt_v[k].at[:, :, :, pl.ds(0, b_per_w)],
                    out_hbm.at[pl.ds(l0, LG), :, wid],
                    osem[k]).wait()

            ps = [(pos_v[l0 + j, pl.ds(0, LANES)],
                   pos_v[l0 + j, pl.ds(LANES, LANES)]) for j in range(LG)]
            src = rows_v[k]
            dst = outt_v[k]

            def tok_body(b, carry):
                col = jnp.full((LANES,), b, jnp.int32)
                for j in range(LG):
                    v0 = src[j * b_per_w + b, pl.ds(0, LANES)] + ps[j][0]
                    v1 = src[j * b_per_w + b, pl.ds(LANES, LANES)] + ps[j][1]
                    plsc.store_scatter(dst.at[j], [tr0, sub0, col], v0)
                    plsc.store_scatter(dst.at[j], [tr1, sub0, col], v1)
                return carry

            lax.fori_loop(0, b_per_w, tok_body, 0)

            @pl.when(g < n_g - DEPTH)
            def _():
                fire(g + DEPTH, k)

            pltpu.async_copy(
                dst.at[:, :, :, pl.ds(0, b_per_w)],
                out_hbm.at[pl.ds(l0, LG), :, wid],
                osem[k])

        def step(g2, carry):
            for j in range(DEPTH):
                handle(g2 * DEPTH + j, j)
            return carry

        lax.fori_loop(0, n_g // DEPTH, step, 0)

        for k in range(DEPTH):
            pltpu.make_async_copy(
                outt_v[k].at[:, :, :, pl.ds(0, b_per_w)],
                out_hbm.at[pl.ds(0, LG), :, wid],
                osem[k]).wait()

    return run


def kernel(input, token_table, pos_table):
    b, l = input.shape
    v, d = token_table.shape
    idx_a = (input.T.astype(jnp.int32)
             .reshape(l // LG, LG, b // 128, 128)
             .transpose(2, 0, 1, 3)
             .reshape(b // 128, l // LG, LG * 128))
    out = _emb_call(b, l, d)(idx_a, token_table,
                             pos_table.astype(jnp.float32))
    return (out.transpose(2, 4, 0, 1, 3)
            .reshape(b, l, d))

# --- scband reference (transcript-rebuilt; emitter-appended) ---
"""Pipeline reference for scband-token-and-position-embedding-72361609003148 (READ-ONLY COPY).

The authoritative reference and input builder live on the scoring server;
editing this copy changes nothing except your own understanding.
"""

import jax, jax.numpy as jnp
import numpy as np

VOCAB = 1000000
MAX_LEN = 200
EMBED_DIM = 32
BATCH = 4096
SEQ = 200

def setup_inputs(seed: int = 0) -> dict:
    key = jax.random.key(seed)
    k1, k2, k3 = jax.random.split(key, 3)
    inp = jax.random.randint(k1, (BATCH, SEQ), 0, VOCAB, dtype=jnp.int64 if jax.config.jax_enable_x64 else jnp.int32)
    token_table = jax.random.normal(k2, (VOCAB, EMBED_DIM), dtype=jnp.float32) * 0.02
    pos_table = jax.random.normal(k3, (MAX_LEN, EMBED_DIM), dtype=jnp.float32) * 0.02
    return {"input": inp, "token_table": token_table, "pos_table": pos_table}

def reference(input, token_table, pos_table):
    seq_len = input.shape[1]
    positions = jnp.arange(seq_len)
    pos_emb = jnp.take(pos_table, positions, axis=0)[None, :, :]  # [1, L, D]
    tok_emb = jnp.take(token_table, input, axis=0)                # [B, L, D]
    return tok_emb + pos_emb

if __name__ == "__main__":
    import jax
    _d = setup_inputs()
    print(jax.jit(kernel)(*tuple(_d.values())))

</pallas_src>

<mosaic_0001>
#map = affine_map<(d0, d1) -> (0, 0, 0)>
#map1 = affine_map<(d0, d1) -> (0, 0)>
#map2 = affine_map<(d0, d1) -> (0, 0, 0, 0, 0)>
module attributes {stable_mosaic.version = 14 : i64} {
  func.func @run(%arg0: i32, %arg1: i32, %arg2: memref<32x50x512xi32, #tpu.memory_space<hbm>>, %arg3: memref<1000000x32xf32, #tpu.memory_space<hbm>>, %arg4: memref<200x32xf32, #tpu.memory_space<hbm>>, %arg5: memref<200x4x32x8x128xf32, #tpu.memory_space<hbm>>, %arg6: memref<50x512xi32, #tpu.memory_space<vmem>>, %arg7: memref<512x32xf32, #tpu.memory_space<vmem>>, %arg8: memref<512x32xf32, #tpu.memory_space<vmem>>, %arg9: memref<4x4x8x129xf32, #tpu.memory_space<vmem>>, %arg10: memref<4x4x8x129xf32, #tpu.memory_space<vmem>>, %arg11: memref<200x32xf32, #tpu.memory_space<vmem>>, %arg12: memref<!tpu.dma_semaphore, #tpu.memory_space<semaphore_mem>>, %arg13: memref<!tpu.dma_semaphore, #tpu.memory_space<semaphore_mem>>, %arg14: memref<!tpu.dma_semaphore, #tpu.memory_space<semaphore_mem>>, %arg15: memref<!tpu.dma_semaphore, #tpu.memory_space<semaphore_mem>>) attributes {dimension_semantics = [#tpu.dimension_semantics<core_parallel>, #tpu.dimension_semantics<subcore_parallel>], iteration_bounds = array<i64: 2, 16>, scalar_prefetch = 0 : i64, scratch_operands = 10 : i64, tpu.core_type = #tpu.core_type<sc_vector_subcore>, window_params = [{transform_indices = #map}, {transform_indices = #map1}, {transform_indices = #map1}, {transform_indices = #map2}]} {
    %mul3A = arith.constant 2 : i32
    %mul3A_0 = arith.muli %arg1, %mul3A : i32
    %add3A = arith.addi %mul3A_0, %arg0 : i32
    %mul3A_1 = arith.constant 128 : i32
    %mul3A_2 = arith.muli %add3A, %mul3A_1 : i32
    %multiple_of3A = tpu.assume_multiple %mul3A_2, 128 : i32
    "tpu.region"() ({
      %run_scoped3A = tpu.sem_alloc : memref<!tpu.dma_semaphore, #tpu.memory_space<semaphore_mem>>
      tpu.enqueue_dma source(%arg4 : memref<200x32xf32, #tpu.memory_space<hbm>>) target(%arg11 : memref<200x32xf32, #tpu.memory_space<vmem>>) target_semaphore(%run_scoped3A : memref<!tpu.dma_semaphore, #tpu.memory_space<semaphore_mem>>)
      tpu.wait_dma2 semaphore(%run_scoped3A : memref<!tpu.dma_semaphore, #tpu.memory_space<semaphore_mem>>) src(%arg4 : memref<200x32xf32, #tpu.memory_space<hbm>>) dst(%arg11 : memref<200x32xf32, #tpu.memory_space<vmem>>)
      tpu.yield
    }) : () -> ()
    "tpu.region"() ({
      %run_scoped3A = tpu.sem_alloc : memref<!tpu.dma_semaphore, #tpu.memory_space<semaphore_mem>>
      %dma_start3A_93 = arith.constant 0 : i32
      %dma_start3A_94 = arith.constant 0 : i32
      %dma_start3A_95 = tpu.memref_slice %arg2[%add3A, %dma_start3A_93, %dma_start3A_94] : memref<32x50x512xi32, #tpu.memory_space<hbm>> -> memref<1x50x512xi32, #tpu.memory_space<hbm>>
      %dma_start3A_96 = tpu.memref_squeeze %dma_start3A_95 : memref<1x50x512xi32, #tpu.memory_space<hbm>> -> memref<50x512xi32, #tpu.memory_space<hbm>>
      %dma_start3A_97 = arith.constant 0 : i32
      %dma_start3A_98 = arith.constant 0 : i32
      %dma_start3A_99 = tpu.memref_slice %arg2[%add3A, %dma_start3A_97, %dma_start3A_98] : memref<32x50x512xi32, #tpu.memory_space<hbm>> -> memref<1x50x512xi32, #tpu.memory_space<hbm>>
      %dma_start3A_100 = tpu.memref_squeeze %dma_start3A_99 : memref<1x50x512xi32, #tpu.memory_space<hbm>> -> memref<50x512xi32, #tpu.memory_space<hbm>>
      tpu.enqueue_dma source(%dma_start3A_100 : memref<50x512xi32, #tpu.memory_space<hbm>>) target(%arg6 : memref<50x512xi32, #tpu.memory_space<vmem>>) target_semaphore(%run_scoped3A : memref<!tpu.dma_semaphore, #tpu.memory_space<semaphore_mem>>)
      %dma_wait3A_101 = arith.constant 0 : i32
      %dma_wait3A_102 = arith.constant 0 : i32
      %dma_wait3A_103 = tpu.memref_slice %arg2[%add3A, %dma_wait3A_101, %dma_wait3A_102] : memref<32x50x512xi32, #tpu.memory_space<hbm>> -> memref<1x50x512xi32, #tpu.memory_space<hbm>>
      %dma_wait3A_104 = tpu.memref_squeeze %dma_wait3A_103 : memref<1x50x512xi32, #tpu.memory_space<hbm>> -> memref<50x512xi32, #tpu.memory_space<hbm>>
      %dma_wait3A_105 = arith.constant 0 : i32
      %dma_wait3A_106 = arith.constant 0 : i32
      %dma_wait3A_107 = tpu.memref_slice %arg2[%add3A, %dma_wait3A_105, %dma_wait3A_106] : memref<32x50x512xi32, #tpu.memory_space<hbm>> -> memref<1x50x512xi32, #tpu.memory_space<hbm>>
      %dma_wait3A_108 = tpu.memref_squeeze %dma_wait3A_107 : memref<1x50x512xi32, #tpu.memory_space<hbm>> -> memref<50x512xi32, #tpu.memory_space<hbm>>
      tpu.wait_dma2 semaphore(%run_scoped3A : memref<!tpu.dma_semaphore, #tpu.memory_space<semaphore_mem>>) src(%dma_wait3A_108 : memref<50x512xi32, #tpu.memory_space<hbm>>) dst(%arg6 : memref<50x512xi32, #tpu.memory_space<vmem>>)
      tpu.yield
    }) : () -> ()
    %dma_start3A = arith.constant 0 : i32
    %dma_start3A_3 = arith.constant 0 : i32
    %dma_start3A_4 = tpu.memref_slice %arg6[%dma_start3A, %dma_start3A_3] : memref<50x512xi32, #tpu.memory_space<vmem>> -> memref<1x512xi32, #tpu.memory_space<vmem>>
    %dma_start3A_5 = tpu.memref_squeeze %dma_start3A_4 : memref<1x512xi32, #tpu.memory_space<vmem>> -> memref<512xi32, #tpu.memory_space<vmem>>
    %dma_start3A_6 = arith.constant 0 : i32
    %dma_start3A_7 = arith.constant 0 : i32
    %dma_start3A_8 = tpu.memref_slice %arg3[%dma_start3A_6, %dma_start3A_7] : memref<1000000x32xf32, #tpu.memory_space<hbm>> -> memref<1000000x32xf32, #tpu.memory_space<hbm>>
    tpu.enqueue_indirect_dma source(%dma_start3A_8 : memref<1000000x32xf32, #tpu.memory_space<hbm>>) target(%arg7 : memref<512x32xf32, #tpu.memory_space<vmem>>) offsets(%dma_start3A_5 : memref<512xi32, #tpu.memory_space<vmem>>) semaphore(%arg12 : memref<!tpu.dma_semaphore, #tpu.memory_space<semaphore_mem>>)
    %dma_start3A_9 = arith.constant 1 : i32
    %dma_start3A_10 = arith.constant 0 : i32
    %dma_start3A_11 = tpu.memref_slice %arg6[%dma_start3A_9, %dma_start3A_10] : memref<50x512xi32, #tpu.memory_space<vmem>> -> memref<1x512xi32, #tpu.memory_space<vmem>>
    %dma_start3A_12 = tpu.memref_squeeze %dma_start3A_11 : memref<1x512xi32, #tpu.memory_space<vmem>> -> memref<512xi32, #tpu.memory_space<vmem>>
    %dma_start3A_13 = arith.constant 0 : i32
    %dma_start3A_14 = arith.constant 0 : i32
    %dma_start3A_15 = tpu.memref_slice %arg3[%dma_start3A_13, %dma_start3A_14] : memref<1000000x32xf32, #tpu.memory_space<hbm>> -> memref<1000000x32xf32, #tpu.memory_space<hbm>>
    tpu.enqueue_indirect_dma source(%dma_start3A_15 : memref<1000000x32xf32, #tpu.memory_space<hbm>>) target(%arg8 : memref<512x32xf32, #tpu.memory_space<vmem>>) offsets(%dma_start3A_12 : memref<512xi32, #tpu.memory_space<vmem>>) semaphore(%arg13 : memref<!tpu.dma_semaphore, #tpu.memory_space<semaphore_mem>>)
    %iota3A = tpu.iota {dimensions = array<i32: 0>} : vector<16xi32>
    %rem3A = arith.constant 8 : i32
    %rem3A_16 = vector.broadcast %rem3A : i32 to vector<16xi32>
    %rem3A_17 = arith.remsi %iota3A, %rem3A_16 : vector<16xi32>
    %jit3A = arith.constant 8 : i32
    %div3A = vector.broadcast %jit3A : i32 to vector<16xi32>
    %div3A_18 = arith.divsi %iota3A, %div3A : vector<16xi32>
    %sign3A = arith.constant 0 : i32
    %sign3A_19 = vector.broadcast %sign3A : i32 to vector<16xi32>
    %sign3A_20 = arith.cmpi sgt, %iota3A, %sign3A_19 : vector<16xi32>
    %sign3A_21 = arith.extui %sign3A_20 : vector<16xi1> to vector<16xi32>
    %sign3A_22 = arith.constant 0 : i32
    %sign3A_23 = vector.broadcast %sign3A_22 : i32 to vector<16xi32>
    %sign3A_24 = arith.cmpi slt, %iota3A, %sign3A_23 : vector<16xi32>
    %sign3A_25 = arith.extui %sign3A_24 : vector<16xi1> to vector<16xi32>
    %sign3A_26 = arith.subi %sign3A_21, %sign3A_25 : vector<16xi32>
    %sign3A_27 = arith.constant 0 : i32
    %sign3A_28 = arith.cmpi sgt, %jit3A, %sign3A_27 : i32
    %sign3A_29 = arith.extui %sign3A_28 : i1 to i32
    %sign3A_30 = arith.constant 0 : i32
    %sign3A_31 = arith.cmpi slt, %jit3A, %sign3A_30 : i32
    %sign3A_32 = arith.extui %sign3A_31 : i1 to i32
    %sign3A_33 = arith.subi %sign3A_29, %sign3A_32 : i32
    %ne3A = vector.broadcast %sign3A_33 : i32 to vector<16xi32>
    %ne3A_34 = arith.cmpi ne, %sign3A_26, %ne3A : vector<16xi32>
    %rem3A_35 = vector.broadcast %jit3A : i32 to vector<16xi32>
    %rem3A_36 = arith.remsi %iota3A, %rem3A_35 : vector<16xi32>
    %ne3A_37 = arith.constant 0 : i32
    %ne3A_38 = vector.broadcast %ne3A_37 : i32 to vector<16xi32>
    %ne3A_39 = arith.cmpi ne, %rem3A_36, %ne3A_38 : vector<16xi32>
    %and3A = arith.andi %ne3A_34, %ne3A_39 : vector<16xi1>
    %sub3A = arith.constant 1 : i32
    %sub3A_40 = vector.broadcast %sub3A : i32 to vector<16xi32>
    %sub3A_41 = arith.subi %div3A_18, %sub3A_40 : vector<16xi32>
    %select_n3A = arith.select %and3A, %sub3A_41, %div3A_18 : vector<16xi1>, vector<16xi32>
    %add3A_42 = arith.constant 2 : i32
    %add3A_43 = vector.broadcast %add3A_42 : i32 to vector<16xi32>
    %add3A_44 = arith.addi %select_n3A, %add3A_43 : vector<16xi32>
    %scan3A = arith.constant 0 : i32
    %scan3A_45 = arith.constant 0 : i32
    %scan3A_46 = arith.constant 25 : i32
    %scan3A_47 = arith.addi %scan3A_45, %scan3A_46 : i32
    %scan3A_48 = arith.constant 1 : i32
    scf.for %scan3A_93 = %scan3A_45 to %scan3A_47 step %scan3A_48  : i32 {
      %mul3A_94 = arith.constant 2 : i32
      %mul3A_95 = arith.muli %scan3A_93, %mul3A_94 : i32
      %add3A_96 = arith.constant 0 : i32
      %add3A_97 = arith.addi %mul3A_95, %add3A_96 : i32
      %mul3A_98 = arith.constant 4 : i32
      %mul3A_99 = arith.muli %add3A_97, %mul3A_98 : i32
      %multiple_of3A_100 = tpu.assume_multiple %mul3A_99, 4 : i32
      %dma_wait3A_101 = arith.constant 0 : i32
      %dma_wait3A_102 = tpu.memref_slice %arg6[%add3A_97, %dma_wait3A_101] : memref<50x512xi32, #tpu.memory_space<vmem>> -> memref<1x512xi32, #tpu.memory_space<vmem>>
      %dma_wait3A_103 = tpu.memref_squeeze %dma_wait3A_102 : memref<1x512xi32, #tpu.memory_space<vmem>> -> memref<512xi32, #tpu.memory_space<vmem>>
      %dma_wait3A_104 = arith.constant 0 : i32
      %dma_wait3A_105 = arith.constant 0 : i32
      %dma_wait3A_106 = tpu.memref_slice %arg3[%dma_wait3A_104, %dma_wait3A_105] : memref<1000000x32xf32, #tpu.memory_space<hbm>> -> memref<1000000x32xf32, #tpu.memory_space<hbm>>
      tpu.wait_indirect_dma semaphore(%arg12 : memref<!tpu.dma_semaphore, #tpu.memory_space<semaphore_mem>>) src(%dma_wait3A_106 : memref<1000000x32xf32, #tpu.memory_space<hbm>>) dst(%arg7 : memref<512x32xf32, #tpu.memory_space<vmem>>)
      %ge3A = arith.constant 2 : i32
      %ge3A_107 = arith.cmpi sge, %add3A_97, %ge3A : i32
      %convert_element_type3A = arith.extui %ge3A_107 : i1 to i32
      %cond3A = arith.constant 0 : i32
      %cond3A_108 = arith.cmpi ne, %convert_element_type3A, %cond3A : i32
      scf.if %cond3A_108 {
        %dma_wait3A_267 = arith.constant 0 : i32
        %dma_wait3A_268 = arith.constant 0 : i32
        %dma_wait3A_269 = arith.constant 0 : i32
        %dma_wait3A_270 = arith.constant 0 : i32
        %dma_wait3A_271 = tpu.memref_slice %arg9[%dma_wait3A_267, %dma_wait3A_268, %dma_wait3A_269, %dma_wait3A_270] : memref<4x4x8x129xf32, #tpu.memory_space<vmem>> -> memref<4x4x8x128xf32, #tpu.memory_space<vmem>>
        %dma_wait3A_272 = arith.constant 0 : i32
        %dma_wait3A_273 = arith.constant 0 : i32
        %dma_wait3A_274 = arith.constant 0 : i32
        %dma_wait3A_275 = tpu.memref_slice %arg5[%multiple_of3A_100, %dma_wait3A_272, %add3A, %dma_wait3A_273, %dma_wait3A_274] : memref<200x4x32x8x128xf32, #tpu.memory_space<hbm>> -> memref<4x4x1x8x128xf32, #tpu.memory_space<hbm>>
        %dma_wait3A_276 = tpu.memref_squeeze %dma_wait3A_275 : memref<4x4x1x8x128xf32, #tpu.memory_space<hbm>> -> memref<4x4x8x128xf32, #tpu.memory_space<hbm>>
        %dma_wait3A_277 = arith.constant 0 : i32
        %dma_wait3A_278 = arith.constant 0 : i32
        %dma_wait3A_279 = arith.constant 0 : i32
        %dma_wait3A_280 = tpu.memref_slice %arg5[%multiple_of3A_100, %dma_wait3A_277, %add3A, %dma_wait3A_278, %dma_wait3A_279] : memref<200x4x32x8x128xf32, #tpu.memory_space<hbm>> -> memref<4x4x1x8x128xf32, #tpu.memory_space<hbm>>
        %dma_wait3A_281 = tpu.memref_squeeze %dma_wait3A_280 : memref<4x4x1x8x128xf32, #tpu.memory_space<hbm>> -> memref<4x4x8x128xf32, #tpu.memory_space<hbm>>
        %dma_wait3A_282 = arith.constant 0 : i32
        %dma_wait3A_283 = arith.constant 0 : i32
        %dma_wait3A_284 = arith.constant 0 : i32
        %dma_wait3A_285 = arith.constant 0 : i32
        %dma_wait3A_286 = tpu.memref_slice %arg9[%dma_wait3A_282, %dma_wait3A_283, %dma_wait3A_284, %dma_wait3A_285] : memref<4x4x8x129xf32, #tpu.memory_space<vmem>> -> memref<4x4x8x128xf32, #tpu.memory_space<vmem>>
        tpu.wait_dma2 semaphore(%arg14 : memref<!tpu.dma_semaphore, #tpu.memory_space<semaphore_mem>>) src(%dma_wait3A_286 : memref<4x4x8x128xf32, #tpu.memory_space<vmem>>) dst(%dma_wait3A_281 : memref<4x4x8x128xf32, #tpu.memory_space<hbm>>)
      } else {
      }
      %add3A_109 = arith.constant 0 : i32
      %add3A_110 = arith.addi %multiple_of3A_100, %add3A_109 : i32
      %get3A = arith.index_cast %add3A_110 : i32 to index
      %get3A_111 = arith.constant 0 : index
      %get3A_112 = tpu.vector_load %arg11[%get3A, %get3A_111] {strides = array<i32>} : memref<200x32xf32, #tpu.memory_space<vmem>>, vector<16xf32>,
      %add3A_113 = arith.constant 0 : i32
      %add3A_114 = arith.addi %multiple_of3A_100, %add3A_113 : i32
      %get3A_115 = arith.index_cast %add3A_114 : i32 to index
      %get3A_116 = arith.constant 16 : index
      %get3A_117 = tpu.vector_load %arg11[%get3A_115, %get3A_116] {strides = array<i32>} : memref<200x32xf32, #tpu.memory_space<vmem>>, vector<16xf32>,
      %add3A_118 = arith.constant 1 : i32
      %add3A_119 = arith.addi %multiple_of3A_100, %add3A_118 : i32
      %get3A_120 = arith.index_cast %add3A_119 : i32 to index
      %get3A_121 = arith.constant 0 : index
      %get3A_122 = tpu.vector_load %arg11[%get3A_120, %get3A_121] {strides = array<i32>} : memref<200x32xf32, #tpu.memory_space<vmem>>, vector<16xf32>,
      %add3A_123 = arith.constant 1 : i32
      %add3A_124 = arith.addi %multiple_of3A_100, %add3A_123 : i32
      %get3A_125 = arith.index_cast %add3A_124 : i32 to index
      %get3A_126 = arith.constant 16 : index
      %get3A_127 = tpu.vector_load %arg11[%get3A_125, %get3A_126] {strides = array<i32>} : memref<200x32xf32, #tpu.memory_space<vmem>>, vector<16xf32>,
      %add3A_128 = arith.constant 2 : i32
      %add3A_129 = arith.addi %multiple_of3A_100, %add3A_128 : i32
      %get3A_130 = arith.index_cast %add3A_129 : i32 to index
      %get3A_131 = arith.constant 0 : index
      %get3A_132 = tpu.vector_load %arg11[%get3A_130, %get3A_131] {strides = array<i32>} : memref<200x32xf32, #tpu.memory_space<vmem>>, vector<16xf32>,
      %add3A_133 = arith.constant 2 : i32
      %add3A_134 = arith.addi %multiple_of3A_100, %add3A_133 : i32
      %get3A_135 = arith.index_cast %add3A_134 : i32 to index
      %get3A_136 = arith.constant 16 : index
      %get3A_137 = tpu.vector_load %arg11[%get3A_135, %get3A_136] {strides = array<i32>} : memref<200x32xf32, #tpu.memory_space<vmem>>, vector<16xf32>,
      %add3A_138 = arith.constant 3 : i32
      %add3A_139 = arith.addi %multiple_of3A_100, %add3A_138 : i32
      %get3A_140 = arith.index_cast %add3A_139 : i32 to index
      %get3A_141 = arith.constant 0 : index
      %get3A_142 = tpu.vector_load %arg11[%get3A_140, %get3A_141] {strides = array<i32>} : memref<200x32xf32, #tpu.memory_space<vmem>>, vector<16xf32>,
      %add3A_143 = arith.constant 3 : i32
      %add3A_144 = arith.addi %multiple_of3A_100, %add3A_143 : i32
      %get3A_145 = arith.index_cast %add3A_144 : i32 to index
      %get3A_146 = arith.constant 16 : index
      %get3A_147 = tpu.vector_load %arg11[%get3A_145, %get3A_146] {strides = array<i32>} : memref<200x32xf32, #tpu.memory_space<vmem>>, vector<16xf32>,
      %scan3A_148 = arith.constant 0 : i32
      %scan3A_149 = arith.constant 0 : i32
      %scan3A_150 = arith.constant 128 : i32
      %scan3A_151 = arith.addi %scan3A_149, %scan3A_150 : i32
      %scan3A_152 = arith.constant 1 : i32
      scf.for %scan3A_267 = %scan3A_149 to %scan3A_151 step %scan3A_152  : i32 {
        %broadcast_in_dim3A = vector.broadcast %scan3A_267 : i32 to vector<16xi32>
        %add3A_268 = arith.constant 0 : i32
        %add3A_269 = arith.addi %add3A_268, %scan3A_267 : i32
        %get3A_270 = arith.index_cast %add3A_269 : i32 to index
        %get3A_271 = arith.constant 0 : index
        %get3A_272 = tpu.vector_load %arg7[%get3A_270, %get3A_271] {strides = array<i32>} : memref<512x32xf32, #tpu.memory_space<vmem>>, vector<16xf32>,
        %add3A_273 = arith.addf %get3A_272, %get3A_112 : vector<16xf32>
        %add3A_274 = arith.constant 0 : i32
        %add3A_275 = arith.addi %add3A_274, %scan3A_267 : i32
        %get3A_276 = arith.index_cast %add3A_275 : i32 to index
        %get3A_277 = arith.constant 16 : index
        %get3A_278 = tpu.vector_load %arg7[%get3A_276, %get3A_277] {strides = array<i32>} : memref<512x32xf32, #tpu.memory_space<vmem>>, vector<16xf32>,
        %add3A_279 = arith.addf %get3A_278, %get3A_117 : vector<16xf32>
        %scatter3A = arith.constant 0 : i32
        %scatter3A_280 = arith.constant 0 : i32
        %scatter3A_281 = arith.constant 0 : i32
        %scatter3A_282 = arith.constant 0 : i32
        %scatter3A_283 = tpu.memref_slice %arg9[%scatter3A, %scatter3A_280, %scatter3A_281, %scatter3A_282] : memref<4x4x8x129xf32, #tpu.memory_space<vmem>> -> memref<1x4x8x129xf32, #tpu.memory_space<vmem>>
        %scatter3A_284 = tpu.memref_squeeze %scatter3A_283 : memref<1x4x8x129xf32, #tpu.memory_space<vmem>> -> memref<4x8x129xf32, #tpu.memory_space<vmem>>
        tpu.vector_store_idx %scatter3A_284[%select_n3A, %rem3A_17, %broadcast_in_dim3A], %add3A_273 : memref<4x8x129xf32, #tpu.memory_space<vmem>>[vector<16xi32>, vector<16xi32>, vector<16xi32>], vector<16xf32>,
        %scatter3A_285 = arith.constant 0 : i32
        %scatter3A_286 = arith.constant 0 : i32
        %scatter3A_287 = arith.constant 0 : i32
        %scatter3A_288 = arith.constant 0 : i32
        %scatter3A_289 = tpu.memref_slice %arg9[%scatter3A_285, %scatter3A_286, %scatter3A_287, %scatter3A_288] : memref<4x4x8x129xf32, #tpu.memory_space<vmem>> -> memref<1x4x8x129xf32, #tpu.memory_space<vmem>>
        %scatter3A_290 = tpu.memref_squeeze %scatter3A_289 : memref<1x4x8x129xf32, #tpu.memory_space<vmem>> -> memref<4x8x129xf32, #tpu.memory_space<vmem>>
        tpu.vector_store_idx %scatter3A_290[%add3A_44, %rem3A_17, %broadcast_in_dim3A], %add3A_279 : memref<4x8x129xf32, #tpu.memory_space<vmem>>[vector<16xi32>, vector<16xi32>, vector<16xi32>], vector<16xf32>,
        %add3A_291 = arith.constant 128 : i32
        %add3A_292 = arith.addi %add3A_291, %scan3A_267 : i32
        %get3A_293 = arith.index_cast %add3A_292 : i32 to index
        %get3A_294 = arith.constant 0 : index
        %get3A_295 = tpu.vector_load %arg7[%get3A_293, %get3A_294] {strides = array<i32>} : memref<512x32xf32, #tpu.memory_space<vmem>>, vector<16xf32>,
        %add3A_296 = arith.addf %get3A_295, %get3A_122 : vector<16xf32>
        %add3A_297 = arith.constant 128 : i32
        %add3A_298 = arith.addi %add3A_297, %scan3A_267 : i32
        %get3A_299 = arith.index_cast %add3A_298 : i32 to index
        %get3A_300 = arith.constant 16 : index
        %get3A_301 = tpu.vector_load %arg7[%get3A_299, %get3A_300] {strides = array<i32>} : memref<512x32xf32, #tpu.memory_space<vmem>>, vector<16xf32>,
        %add3A_302 = arith.addf %get3A_301, %get3A_127 : vector<16xf32>
        %scatter3A_303 = arith.constant 1 : i32
        %scatter3A_304 = arith.constant 0 : i32
        %scatter3A_305 = arith.constant 0 : i32
        %scatter3A_306 = arith.constant 0 : i32
        %scatter3A_307 = tpu.memref_slice %arg9[%scatter3A_303, %scatter3A_304, %scatter3A_305, %scatter3A_306] : memref<4x4x8x129xf32, #tpu.memory_space<vmem>> -> memref<1x4x8x129xf32, #tpu.memory_space<vmem>>
        %scatter3A_308 = tpu.memref_squeeze %scatter3A_307 : memref<1x4x8x129xf32, #tpu.memory_space<vmem>> -> memref<4x8x129xf32, #tpu.memory_space<vmem>>
        tpu.vector_store_idx %scatter3A_308[%select_n3A, %rem3A_17, %broadcast_in_dim3A], %add3A_296 : memref<4x8x129xf32, #tpu.memory_space<vmem>>[vector<16xi32>, vector<16xi32>, vector<16xi32>], vector<16xf32>,
        %scatter3A_309 = arith.constant 1 : i32
        %scatter3A_310 = arith.constant 0 : i32
        %scatter3A_311 = arith.constant 0 : i32
        %scatter3A_312 = arith.constant 0 : i32
        %scatter3A_313 = tpu.memref_slice %arg9[%scatter3A_309, %scatter3A_310, %scatter3A_311, %scatter3A_312] : memref<4x4x8x129xf32, #tpu.memory_space<vmem>> -> memref<1x4x8x129xf32, #tpu.memory_space<vmem>>
        %scatter3A_314 = tpu.memref_squeeze %scatter3A_313 : memref<1x4x8x129xf32, #tpu.memory_space<vmem>> -> memref<4x8x129xf32, #tpu.memory_space<vmem>>
        tpu.vector_store_idx %scatter3A_314[%add3A_44, %rem3A_17, %broadcast_in_dim3A], %add3A_302 : memref<4x8x129xf32, #tpu.memory_space<vmem>>[vector<16xi32>, vector<16xi32>, vector<16xi32>], vector<16xf32>,
        %add3A_315 = arith.constant 256 : i32
        %add3A_316 = arith.addi %add3A_315, %scan3A_267 : i32
        %get3A_317 = arith.index_cast %add3A_316 : i32 to index
        %get3A_318 = arith.constant 0 : index
        %get3A_319 = tpu.vector_load %arg7[%get3A_317, %get3A_318] {strides = array<i32>} : memref<512x32xf32, #tpu.memory_space<vmem>>, vector<16xf32>,
        %add3A_320 = arith.addf %get3A_319, %get3A_132 : vector<16xf32>
        %add3A_321 = arith.constant 256 : i32
        %add3A_322 = arith.addi %add3A_321, %scan3A_267 : i32
        %get3A_323 = arith.index_cast %add3A_322 : i32 to index
        %get3A_324 = arith.constant 16 : index
        %get3A_325 = tpu.vector_load %arg7[%get3A_323, %get3A_324] {strides = array<i32>} : memref<512x32xf32, #tpu.memory_space<vmem>>, vector<16xf32>,
        %add3A_326 = arith.addf %get3A_325, %get3A_137 : vector<16xf32>
        %scatter3A_327 = arith.constant 2 : i32
        %scatter3A_328 = arith.constant 0 : i32
        %scatter3A_329 = arith.constant 0 : i32
        %scatter3A_330 = arith.constant 0 : i32
        %scatter3A_331 = tpu.memref_slice %arg9[%scatter3A_327, %scatter3A_328, %scatter3A_329, %scatter3A_330] : memref<4x4x8x129xf32, #tpu.memory_space<vmem>> -> memref<1x4x8x129xf32, #tpu.memory_space<vmem>>
        %scatter3A_332 = tpu.memref_squeeze %scatter3A_331 : memref<1x4x8x129xf32, #tpu.memory_space<vmem>> -> memref<4x8x129xf32, #tpu.memory_space<vmem>>
        tpu.vector_store_idx %scatter3A_332[%select_n3A, %rem3A_17, %broadcast_in_dim3A], %add3A_320 : memref<4x8x129xf32, #tpu.memory_space<vmem>>[vector<16xi32>, vector<16xi32>, vector<16xi32>], vector<16xf32>,
        %scatter3A_333 = arith.constant 2 : i32
        %scatter3A_334 = arith.constant 0 : i32
        %scatter3A_335 = arith.constant 0 : i32
        %scatter3A_336 = arith.constant 0 : i32
        %scatter3A_337 = tpu.memref_slice %arg9[%scatter3A_333, %scatter3A_334, %scatter3A_335, %scatter3A_336] : memref<4x4x8x129xf32, #tpu.memory_space<vmem>> -> memref<1x4x8x129xf32, #tpu.memory_space<vmem>>
        %scatter3A_338 = tpu.memref_squeeze %scatter3A_337 : memref<1x4x8x129xf32, #tpu.memory_space<vmem>> -> memref<4x8x129xf32, #tpu.memory_space<vmem>>
        tpu.vector_store_idx %scatter3A_338[%add3A_44, %rem3A_17, %broadcast_in_dim3A], %add3A_326 : memref<4x8x129xf32, #tpu.memory_space<vmem>>[vector<16xi32>, vector<16xi32>, vector<16xi32>], vector<16xf32>,
        %add3A_339 = arith.constant 384 : i32
        %add3A_340 = arith.addi %add3A_339, %scan3A_267 : i32
        %get3A_341 = arith.index_cast %add3A_340 : i32 to index
        %get3A_342 = arith.constant 0 : index
        %get3A_343 = tpu.vector_load %arg7[%get3A_341, %get3A_342] {strides = array<i32>} : memref<512x32xf32, #tpu.memory_space<vmem>>, vector<16xf32>,
        %add3A_344 = arith.addf %get3A_343, %get3A_142 : vector<16xf32>
        %add3A_345 = arith.constant 384 : i32
        %add3A_346 = arith.addi %add3A_345, %scan3A_267 : i32
        %get3A_347 = arith.index_cast %add3A_346 : i32 to index
        %get3A_348 = arith.constant 16 : index
        %get3A_349 = tpu.vector_load %arg7[%get3A_347, %get3A_348] {strides = array<i32>} : memref<512x32xf32, #tpu.memory_space<vmem>>, vector<16xf32>,
        %add3A_350 = arith.addf %get3A_349, %get3A_147 : vector<16xf32>
        %scatter3A_351 = arith.constant 3 : i32
        %scatter3A_352 = arith.constant 0 : i32
        %scatter3A_353 = arith.constant 0 : i32
        %scatter3A_354 = arith.constant 0 : i32
        %scatter3A_355 = tpu.memref_slice %arg9[%scatter3A_351, %scatter3A_352, %scatter3A_353, %scatter3A_354] : memref<4x4x8x129xf32, #tpu.memory_space<vmem>> -> memref<1x4x8x129xf32, #tpu.memory_space<vmem>>
        %scatter3A_356 = tpu.memref_squeeze %scatter3A_355 : memref<1x4x8x129xf32, #tpu.memory_space<vmem>> -> memref<4x8x129xf32, #tpu.memory_space<vmem>>
        tpu.vector_store_idx %scatter3A_356[%select_n3A, %rem3A_17, %broadcast_in_dim3A], %add3A_344 : memref<4x8x129xf32, #tpu.memory_space<vmem>>[vector<16xi32>, vector<16xi32>, vector<16xi32>], vector<16xf32>,
        %scatter3A_357 = arith.constant 3 : i32
        %scatter3A_358 = arith.constant 0 : i32
        %scatter3A_359 = arith.constant 0 : i32
        %scatter3A_360 = arith.constant 0 : i32
        %scatter3A_361 = tpu.memref_slice %arg9[%scatter3A_357, %scatter3A_358, %scatter3A_359, %scatter3A_360] : memref<4x4x8x129xf32, #tpu.memory_space<vmem>> -> memref<1x4x8x129xf32, #tpu.memory_space<vmem>>
        %scatter3A_362 = tpu.memref_squeeze %scatter3A_361 : memref<1x4x8x129xf32, #tpu.memory_space<vmem>> -> memref<4x8x129xf32, #tpu.memory_space<vmem>>
        tpu.vector_store_idx %scatter3A_362[%add3A_44, %rem3A_17, %broadcast_in_dim3A], %add3A_350 : memref<4x8x129xf32, #tpu.memory_space<vmem>>[vector<16xi32>, vector<16xi32>, vector<16xi32>], vector<16xf32>,
      }
      %scan3A_153 = arith.constant 128 : i32
      %lt3A = arith.constant 48 : i32
      %lt3A_154 = arith.cmpi slt, %add3A_97, %lt3A : i32
      %convert_element_type3A_155 = arith.extui %lt3A_154 : i1 to i32
      %cond3A_156 = arith.constant 0 : i32
      %cond3A_157 = arith.cmpi ne, %convert_element_type3A_155, %cond3A_156 : i32
      scf.if %cond3A_157 {
        %add3A_267 = arith.constant 2 : i32
        %add3A_268 = arith.addi %add3A_97, %add3A_267 : i32
        %dma_start3A_269 = arith.constant 0 : i32
        %dma_start3A_270 = tpu.memref_slice %arg6[%add3A_268, %dma_start3A_269] : memref<50x512xi32, #tpu.memory_space<vmem>> -> memref<1x512xi32, #tpu.memory_space<vmem>>
        %dma_start3A_271 = tpu.memref_squeeze %dma_start3A_270 : memref<1x512xi32, #tpu.memory_space<vmem>> -> memref<512xi32, #tpu.memory_space<vmem>>
        %dma_start3A_272 = arith.constant 0 : i32
        %dma_start3A_273 = arith.constant 0 : i32
        %dma_start3A_274 = tpu.memref_slice %arg3[%dma_start3A_272, %dma_start3A_273] : memref<1000000x32xf32, #tpu.memory_space<hbm>> -> memref<1000000x32xf32, #tpu.memory_space<hbm>>
        tpu.enqueue_indirect_dma source(%dma_start3A_274 : memref<1000000x32xf32, #tpu.memory_space<hbm>>) target(%arg7 : memref<512x32xf32, #tpu.memory_space<vmem>>) offsets(%dma_start3A_271 : memref<512xi32, #tpu.memory_space<vmem>>) semaphore(%arg12 : memref<!tpu.dma_semaphore, #tpu.memory_space<semaphore_mem>>)
      } else {
      }
      %dma_start3A_158 = arith.constant 0 : i32
      %dma_start3A_159 = arith.constant 0 : i32
      %dma_start3A_160 = arith.constant 0 : i32
      %dma_start3A_161 = arith.constant 0 : i32
      %dma_start3A_162 = tpu.memref_slice %arg9[%dma_start3A_158, %dma_start3A_159, %dma_start3A_160, %dma_start3A_161] : memref<4x4x8x129xf32, #tpu.memory_space<vmem>> -> memref<4x4x8x128xf32, #tpu.memory_space<vmem>>
      %dma_start3A_163 = arith.constant 0 : i32
      %dma_start3A_164 = arith.constant 0 : i32
      %dma_start3A_165 = arith.constant 0 : i32
      %dma_start3A_166 = tpu.memref_slice %arg5[%multiple_of3A_100, %dma_start3A_163, %add3A, %dma_start3A_164, %dma_start3A_165] : memref<200x4x32x8x128xf32, #tpu.memory_space<hbm>> -> memref<4x4x1x8x128xf32, #tpu.memory_space<hbm>>
      %dma_start3A_167 = tpu.memref_squeeze %dma_start3A_166 : memref<4x4x1x8x128xf32, #tpu.memory_space<hbm>> -> memref<4x4x8x128xf32, #tpu.memory_space<hbm>>
      %dma_start3A_168 = arith.constant 0 : i32
      %dma_start3A_169 = arith.constant 0 : i32
      %dma_start3A_170 = arith.constant 0 : i32
      %dma_start3A_171 = tpu.memref_slice %arg5[%multiple_of3A_100, %dma_start3A_168, %add3A, %dma_start3A_169, %dma_start3A_170] : memref<200x4x32x8x128xf32, #tpu.memory_space<hbm>> -> memref<4x4x1x8x128xf32, #tpu.memory_space<hbm>>
      %dma_start3A_172 = tpu.memref_squeeze %dma_start3A_171 : memref<4x4x1x8x128xf32, #tpu.memory_space<hbm>> -> memref<4x4x8x128xf32, #tpu.memory_space<hbm>>
      %dma_start3A_173 = arith.constant 0 : i32
      %dma_start3A_174 = arith.constant 0 : i32
      %dma_start3A_175 = arith.constant 0 : i32
      %dma_start3A_176 = arith.constant 0 : i32
      %dma_start3A_177 = tpu.memref_slice %arg9[%dma_start3A_173, %dma_start3A_174, %dma_start3A_175, %dma_start3A_176] : memref<4x4x8x129xf32, #tpu.memory_space<vmem>> -> memref<4x4x8x128xf32, #tpu.memory_space<vmem>>
      tpu.enqueue_dma source(%dma_start3A_177 : memref<4x4x8x128xf32, #tpu.memory_space<vmem>>) target(%dma_start3A_172 : memref<4x4x8x128xf32, #tpu.memory_space<hbm>>) target_semaphore(%arg14 : memref<!tpu.dma_semaphore, #tpu.memory_space<semaphore_mem>>)
      %mul3A_178 = arith.constant 2 : i32
      %mul3A_179 = arith.muli %scan3A_93, %mul3A_178 : i32
      %add3A_180 = arith.constant 1 : i32
      %add3A_181 = arith.addi %mul3A_179, %add3A_180 : i32
      %mul3A_182 = arith.constant 4 : i32
      %mul3A_183 = arith.muli %add3A_181, %mul3A_182 : i32
      %multiple_of3A_184 = tpu.assume_multiple %mul3A_183, 4 : i32
      %dma_wait3A_185 = arith.constant 0 : i32
      %dma_wait3A_186 = tpu.memref_slice %arg6[%add3A_181, %dma_wait3A_185] : memref<50x512xi32, #tpu.memory_space<vmem>> -> memref<1x512xi32, #tpu.memory_space<vmem>>
      %dma_wait3A_187 = tpu.memref_squeeze %dma_wait3A_186 : memref<1x512xi32, #tpu.memory_space<vmem>> -> memref<512xi32, #tpu.memory_space<vmem>>
      %dma_wait3A_188 = arith.constant 0 : i32
      %dma_wait3A_189 = arith.constant 0 : i32
      %dma_wait3A_190 = tpu.memref_slice %arg3[%dma_wait3A_188, %dma_wait3A_189] : memref<1000000x32xf32, #tpu.memory_space<hbm>> -> memref<1000000x32xf32, #tpu.memory_space<hbm>>
      tpu.wait_indirect_dma semaphore(%arg13 : memref<!tpu.dma_semaphore, #tpu.memory_space<semaphore_mem>>) src(%dma_wait3A_190 : memref<1000000x32xf32, #tpu.memory_space<hbm>>) dst(%arg8 : memref<512x32xf32, #tpu.memory_space<vmem>>)
      %ge3A_191 = arith.constant 2 : i32
      %ge3A_192 = arith.cmpi sge, %add3A_181, %ge3A_191 : i32
      %convert_element_type3A_193 = arith.extui %ge3A_192 : i1 to i32
      %cond3A_194 = arith.constant 0 : i32
      %cond3A_195 = arith.cmpi ne, %convert_element_type3A_193, %cond3A_194 : i32
      scf.if %cond3A_195 {
        %dma_wait3A_267 = arith.constant 0 : i32
        %dma_wait3A_268 = arith.constant 0 : i32
        %dma_wait3A_269 = arith.constant 0 : i32
        %dma_wait3A_270 = arith.constant 0 : i32
        %dma_wait3A_271 = tpu.memref_slice %arg10[%dma_wait3A_267, %dma_wait3A_268, %dma_wait3A_269, %dma_wait3A_270] : memref<4x4x8x129xf32, #tpu.memory_space<vmem>> -> memref<4x4x8x128xf32, #tpu.memory_space<vmem>>
        %dma_wait3A_272 = arith.constant 0 : i32
        %dma_wait3A_273 = arith.constant 0 : i32
        %dma_wait3A_274 = arith.constant 0 : i32
        %dma_wait3A_275 = tpu.memref_slice %arg5[%multiple_of3A_184, %dma_wait3A_272, %add3A, %dma_wait3A_273, %dma_wait3A_274] : memref<200x4x32x8x128xf32, #tpu.memory_space<hbm>> -> memref<4x4x1x8x128xf32, #tpu.memory_space<hbm>>
        %dma_wait3A_276 = tpu.memref_squeeze %dma_wait3A_275 : memref<4x4x1x8x128xf32, #tpu.memory_space<hbm>> -> memref<4x4x8x128xf32, #tpu.memory_space<hbm>>
        %dma_wait3A_277 = arith.constant 0 : i32
        %dma_wait3A_278 = arith.constant 0 : i32
        %dma_wait3A_279 = arith.constant 0 : i32
        %dma_wait3A_280 = tpu.memref_slice %arg5[%multiple_of3A_184, %dma_wait3A_277, %add3A, %dma_wait3A_278, %dma_wait3A_279] : memref<200x4x32x8x128xf32, #tpu.memory_space<hbm>> -> memref<4x4x1x8x128xf32, #tpu.memory_space<hbm>>
        %dma_wait3A_281 = tpu.memref_squeeze %dma_wait3A_280 : memref<4x4x1x8x128xf32, #tpu.memory_space<hbm>> -> memref<4x4x8x128xf32, #tpu.memory_space<hbm>>
        %dma_wait3A_282 = arith.constant 0 : i32
        %dma_wait3A_283 = arith.constant 0 : i32
        %dma_wait3A_284 = arith.constant 0 : i32
        %dma_wait3A_285 = arith.constant 0 : i32
        %dma_wait3A_286 = tpu.memref_slice %arg10[%dma_wait3A_282, %dma_wait3A_283, %dma_wait3A_284, %dma_wait3A_285] : memref<4x4x8x129xf32, #tpu.memory_space<vmem>> -> memref<4x4x8x128xf32, #tpu.memory_space<vmem>>
        tpu.wait_dma2 semaphore(%arg15 : memref<!tpu.dma_semaphore, #tpu.memory_space<semaphore_mem>>) src(%dma_wait3A_286 : memref<4x4x8x128xf32, #tpu.memory_space<vmem>>) dst(%dma_wait3A_281 : memref<4x4x8x128xf32, #tpu.memory_space<hbm>>)
      } else {
      }
      %add3A_196 = arith.constant 0 : i32
      %add3A_197 = arith.addi %multiple_of3A_184, %add3A_196 : i32
      %get3A_198 = arith.index_cast %add3A_197 : i32 to index
      %get3A_199 = arith.constant 0 : index
      %get3A_200 = tpu.vector_load %arg11[%get3A_198, %get3A_199] {strides = array<i32>} : memref<200x32xf32, #tpu.memory_space<vmem>>, vector<16xf32>,
      %add3A_201 = arith.constant 0 : i32
      %add3A_202 = arith.addi %multiple_of3A_184, %add3A_201 : i32
      %get3A_203 = arith.index_cast %add3A_202 : i32 to index
      %get3A_204 = arith.constant 16 : index
      %get3A_205 = tpu.vector_load %arg11[%get3A_203, %get3A_204] {strides = array<i32>} : memref<200x32xf32, #tpu.memory_space<vmem>>, vector<16xf32>,
      %add3A_206 = arith.constant 1 : i32
      %add3A_207 = arith.addi %multiple_of3A_184, %add3A_206 : i32
      %get3A_208 = arith.index_cast %add3A_207 : i32 to index
      %get3A_209 = arith.constant 0 : index
      %get3A_210 = tpu.vector_load %arg11[%get3A_208, %get3A_209] {strides = array<i32>} : memref<200x32xf32, #tpu.memory_space<vmem>>, vector<16xf32>,
      %add3A_211 = arith.constant 1 : i32
      %add3A_212 = arith.addi %multiple_of3A_184, %add3A_211 : i32
      %get3A_213 = arith.index_cast %add3A_212 : i32 to index
      %get3A_214 = arith.constant 16 : index
      %get3A_215 = tpu.vector_load %arg11[%get3A_213, %get3A_214] {strides = array<i32>} : memref<200x32xf32, #tpu.memory_space<vmem>>, vector<16xf32>,
      %add3A_216 = arith.constant 2 : i32
      %add3A_217 = arith.addi %multiple_of3A_184, %add3A_216 : i32
      %get3A_218 = arith.index_cast %add3A_217 : i32 to index
      %get3A_219 = arith.constant 0 : index
      %get3A_220 = tpu.vector_load %arg11[%get3A_218, %get3A_219] {strides = array<i32>} : memref<200x32xf32, #tpu.memory_space<vmem>>, vector<16xf32>,
      %add3A_221 = arith.constant 2 : i32
      %add3A_222 = arith.addi %multiple_of3A_184, %add3A_221 : i32
      %get3A_223 = arith.index_cast %add3A_222 : i32 to index
      %get3A_224 = arith.constant 16 : index
      %get3A_225 = tpu.vector_load %arg11[%get3A_223, %get3A_224] {strides = array<i32>} : memref<200x32xf32, #tpu.memory_space<vmem>>, vector<16xf32>,
      %add3A_226 = arith.constant 3 : i32
      %add3A_227 = arith.addi %multiple_of3A_184, %add3A_226 : i32
      %get3A_228 = arith.index_cast %add3A_227 : i32 to index
      %get3A_229 = arith.constant 0 : index
      %get3A_230 = tpu.vector_load %arg11[%get3A_228, %get3A_229] {strides = array<i32>} : memref<200x32xf32, #tpu.memory_space<vmem>>, vector<16xf32>,
      %add3A_231 = arith.constant 3 : i32
      %add3A_232 = arith.addi %multiple_of3A_184, %add3A_231 : i32
      %get3A_233 = arith.index_cast %add3A_232 : i32 to index
      %get3A_234 = arith.constant 16 : index
      %get3A_235 = tpu.vector_load %arg11[%get3A_233, %get3A_234] {strides = array<i32>} : memref<200x32xf32, #tpu.memory_space<vmem>>, vector<16xf32>,
      %scan3A_236 = arith.constant 0 : i32
      %scan3A_237 = arith.constant 0 : i32
      %scan3A_238 = arith.constant 128 : i32
      %scan3A_239 = arith.addi %scan3A_237, %scan3A_238 : i32
      %scan3A_240 = arith.constant 1 : i32
      scf.for %scan3A_267 = %scan3A_237 to %scan3A_239 step %scan3A_240  : i32 {
        %broadcast_in_dim3A = vector.broadcast %scan3A_267 : i32 to vector<16xi32>
        %add3A_268 = arith.constant 0 : i32
        %add3A_269 = arith.addi %add3A_268, %scan3A_267 : i32
        %get3A_270 = arith.index_cast %add3A_269 : i32 to index
        %get3A_271 = arith.constant 0 : index
        %get3A_272 = tpu.vector_load %arg8[%get3A_270, %get3A_271] {strides = array<i32>} : memref<512x32xf32, #tpu.memory_space<vmem>>, vector<16xf32>,
        %add3A_273 = arith.addf %get3A_272, %get3A_200 : vector<16xf32>
        %add3A_274 = arith.constant 0 : i32
        %add3A_275 = arith.addi %add3A_274, %scan3A_267 : i32
        %get3A_276 = arith.index_cast %add3A_275 : i32 to index
        %get3A_277 = arith.constant 16 : index
        %get3A_278 = tpu.vector_load %arg8[%get3A_276, %get3A_277] {strides = array<i32>} : memref<512x32xf32, #tpu.memory_space<vmem>>, vector<16xf32>,
        %add3A_279 = arith.addf %get3A_278, %get3A_205 : vector<16xf32>
        %scatter3A = arith.constant 0 : i32
        %scatter3A_280 = arith.constant 0 : i32
        %scatter3A_281 = arith.constant 0 : i32
        %scatter3A_282 = arith.constant 0 : i32
        %scatter3A_283 = tpu.memref_slice %arg10[%scatter3A, %scatter3A_280, %scatter3A_281, %scatter3A_282] : memref<4x4x8x129xf32, #tpu.memory_space<vmem>> -> memref<1x4x8x129xf32, #tpu.memory_space<vmem>>
        %scatter3A_284 = tpu.memref_squeeze %scatter3A_283 : memref<1x4x8x129xf32, #tpu.memory_space<vmem>> -> memref<4x8x129xf32, #tpu.memory_space<vmem>>
        tpu.vector_store_idx %scatter3A_284[%select_n3A, %rem3A_17, %broadcast_in_dim3A], %add3A_273 : memref<4x8x129xf32, #tpu.memory_space<vmem>>[vector<16xi32>, vector<16xi32>, vector<16xi32>], vector<16xf32>,
        %scatter3A_285 = arith.constant 0 : i32
        %scatter3A_286 = arith.constant 0 : i32
        %scatter3A_287 = arith.constant 0 : i32
        %scatter3A_288 = arith.constant 0 : i32
        %scatter3A_289 = tpu.memref_slice %arg10[%scatter3A_285, %scatter3A_286, %scatter3A_287, %scatter3A_288] : memref<4x4x8x129xf32, #tpu.memory_space<vmem>> -> memref<1x4x8x129xf32, #tpu.memory_space<vmem>>
        %scatter3A_290 = tpu.memref_squeeze %scatter3A_289 : memref<1x4x8x129xf32, #tpu.memory_space<vmem>> -> memref<4x8x129xf32, #tpu.memory_space<vmem>>
        tpu.vector_store_idx %scatter3A_290[%add3A_44, %rem3A_17, %broadcast_in_dim3A], %add3A_279 : memref<4x8x129xf32, #tpu.memory_space<vmem>>[vector<16xi32>, vector<16xi32>, vector<16xi32>], vector<16xf32>,
        %add3A_291 = arith.constant 128 : i32
        %add3A_292 = arith.addi %add3A_291, %scan3A_267 : i32
        %get3A_293 = arith.index_cast %add3A_292 : i32 to index
        %get3A_294 = arith.constant 0 : index
        %get3A_295 = tpu.vector_load %arg8[%get3A_293, %get3A_294] {strides = array<i32>} : memref<512x32xf32, #tpu.memory_space<vmem>>, vector<16xf32>,
        %add3A_296 = arith.addf %get3A_295, %get3A_210 : vector<16xf32>
        %add3A_297 = arith.constant 128 : i32
        %add3A_298 = arith.addi %add3A_297, %scan3A_267 : i32
        %get3A_299 = arith.index_cast %add3A_298 : i32 to index
        %get3A_300 = arith.constant 16 : index
        %get3A_301 = tpu.vector_load %arg8[%get3A_299, %get3A_300] {strides = array<i32>} : memref<512x32xf32, #tpu.memory_space<vmem>>, vector<16xf32>,
        %add3A_302 = arith.addf %get3A_301, %get3A_215 : vector<16xf32>
        %scatter3A_303 = arith.constant 1 : i32
        %scatter3A_304 = arith.constant 0 : i32
        %scatter3A_305 = arith.constant 0 : i32
        %scatter3A_306 = arith.constant 0 : i32
        %scatter3A_307 = tpu.memref_slice %arg10[%scatter3A_303, %scatter3A_304, %scatter3A_305, %scatter3A_306] : memref<4x4x8x129xf32, #tpu.memory_space<vmem>> -> memref<1x4x8x129xf32, #tpu.memory_space<vmem>>
        %scatter3A_308 = tpu.memref_squeeze %scatter3A_307 : memref<1x4x8x129xf32, #tpu.memory_space<vmem>> -> memref<4x8x129xf32, #tpu.memory_space<vmem>>
        tpu.vector_store_idx %scatter3A_308[%select_n3A, %rem3A_17, %broadcast_in_dim3A], %add3A_296 : memref<4x8x129xf32, #tpu.memory_space<vmem>>[vector<16xi32>, vector<16xi32>, vector<16xi32>], vector<16xf32>,
        %scatter3A_309 = arith.constant 1 : i32
        %scatter3A_310 = arith.constant 0 : i32
        %scatter3A_311 = arith.constant 0 : i32
        %scatter3A_312 = arith.constant 0 : i32
        %scatter3A_313 = tpu.memref_slice %arg10[%scatter3A_309, %scatter3A_310, %scatter3A_311, %scatter3A_312] : memref<4x4x8x129xf32, #tpu.memory_space<vmem>> -> memref<1x4x8x129xf32, #tpu.memory_space<vmem>>
        %scatter3A_314 = tpu.memref_squeeze %scatter3A_313 : memref<1x4x8x129xf32, #tpu.memory_space<vmem>> -> memref<4x8x129xf32, #tpu.memory_space<vmem>>
        tpu.vector_store_idx %scatter3A_314[%add3A_44, %rem3A_17, %broadcast_in_dim3A], %add3A_302 : memref<4x8x129xf32, #tpu.memory_space<vmem>>[vector<16xi32>, vector<16xi32>, vector<16xi32>], vector<16xf32>,
        %add3A_315 = arith.constant 256 : i32
        %add3A_316 = arith.addi %add3A_315, %scan3A_267 : i32
        %get3A_317 = arith.index_cast %add3A_316 : i32 to index
        %get3A_318 = arith.constant 0 : index
        %get3A_319 = tpu.vector_load %arg8[%get3A_317, %get3A_318] {strides = array<i32>} : memref<512x32xf32, #tpu.memory_space<vmem>>, vector<16xf32>,
        %add3A_320 = arith.addf %get3A_319, %get3A_220 : vector<16xf32>
        %add3A_321 = arith.constant 256 : i32
        %add3A_322 = arith.addi %add3A_321, %scan3A_267 : i32
        %get3A_323 = arith.index_cast %add3A_322 : i32 to index
        %get3A_324 = arith.constant 16 : index
        %get3A_325 = tpu.vector_load %arg8[%get3A_323, %get3A_324] {strides = array<i32>} : memref<512x32xf32, #tpu.memory_space<vmem>>, vector<16xf32>,
        %add3A_326 = arith.addf %get3A_325, %get3A_225 : vector<16xf32>
        %scatter3A_327 = arith.constant 2 : i32
        %scatter3A_328 = arith.constant 0 : i32
        %scatter3A_329 = arith.constant 0 : i32
        %scatter3A_330 = arith.constant 0 : i32
        %scatter3A_331 = tpu.memref_slice %arg10[%scatter3A_327, %scatter3A_328, %scatter3A_329, %scatter3A_330] : memref<4x4x8x129xf32, #tpu.memory_space<vmem>> -> memref<1x4x8x129xf32, #tpu.memory_space<vmem>>
        %scatter3A_332 = tpu.memref_squeeze %scatter3A_331 : memref<1x4x8x129xf32, #tpu.memory_space<vmem>> -> memref<4x8x129xf32, #tpu.memory_space<vmem>>
        tpu.vector_store_idx %scatter3A_332[%select_n3A, %rem3A_17, %broadcast_in_dim3A], %add3A_320 : memref<4x8x129xf32, #tpu.memory_space<vmem>>[vector<16xi32>, vector<16xi32>, vector<16xi32>], vector<16xf32>,
        %scatter3A_333 = arith.constant 2 : i32
        %scatter3A_334 = arith.constant 0 : i32
        %scatter3A_335 = arith.constant 0 : i32
        %scatter3A_336 = arith.constant 0 : i32
        %scatter3A_337 = tpu.memref_slice %arg10[%scatter3A_333, %scatter3A_334, %scatter3A_335, %scatter3A_336] : memref<4x4x8x129xf32, #tpu.memory_space<vmem>> -> memref<1x4x8x129xf32, #tpu.memory_space<vmem>>
        %scatter3A_338 = tpu.memref_squeeze %scatter3A_337 : memref<1x4x8x129xf32, #tpu.memory_space<vmem>> -> memref<4x8x129xf32, #tpu.memory_space<vmem>>
        tpu.vector_store_idx %scatter3A_338[%add3A_44, %rem3A_17, %broadcast_in_dim3A], %add3A_326 : memref<4x8x129xf32, #tpu.memory_space<vmem>>[vector<16xi32>, vector<16xi32>, vector<16xi32>], vector<16xf32>,
        %add3A_339 = arith.constant 384 : i32
        %add3A_340 = arith.addi %add3A_339, %scan3A_267 : i32
        %get3A_341 = arith.index_cast %add3A_340 : i32 to index
        %get3A_342 = arith.constant 0 : index
        %get3A_343 = tpu.vector_load %arg8[%get3A_341, %get3A_342] {strides = array<i32>} : memref<512x32xf32, #tpu.memory_space<vmem>>, vector<16xf32>,
        %add3A_344 = arith.addf %get3A_343, %get3A_230 : vector<16xf32>
        %add3A_345 = arith.constant 384 : i32
        %add3A_346 = arith.addi %add3A_345, %scan3A_267 : i32
        %get3A_347 = arith.index_cast %add3A_346 : i32 to index
        %get3A_348 = arith.constant 16 : index
        %get3A_349 = tpu.vector_load %arg8[%get3A_347, %get3A_348] {strides = array<i32>} : memref<512x32xf32, #tpu.memory_space<vmem>>, vector<16xf32>,
        %add3A_350 = arith.addf %get3A_349, %get3A_235 : vector<16xf32>
        %scatter3A_351 = arith.constant 3 : i32
        %scatter3A_352 = arith.constant 0 : i32
        %scatter3A_353 = arith.constant 0 : i32
        %scatter3A_354 = arith.constant 0 : i32
        %scatter3A_355 = tpu.memref_slice %arg10[%scatter3A_351, %scatter3A_352, %scatter3A_353, %scatter3A_354] : memref<4x4x8x129xf32, #tpu.memory_space<vmem>> -> memref<1x4x8x129xf32, #tpu.memory_space<vmem>>
        %scatter3A_356 = tpu.memref_squeeze %scatter3A_355 : memref<1x4x8x129xf32, #tpu.memory_space<vmem>> -> memref<4x8x129xf32, #tpu.memory_space<vmem>>
        tpu.vector_store_idx %scatter3A_356[%select_n3A, %rem3A_17, %broadcast_in_dim3A], %add3A_344 : memref<4x8x129xf32, #tpu.memory_space<vmem>>[vector<16xi32>, vector<16xi32>, vector<16xi32>], vector<16xf32>,
        %scatter3A_357 = arith.constant 3 : i32
        %scatter3A_358 = arith.constant 0 : i32
        %scatter3A_359 = arith.constant 0 : i32
        %scatter3A_360 = arith.constant 0 : i32
        %scatter3A_361 = tpu.memref_slice %arg10[%scatter3A_357, %scatter3A_358, %scatter3A_359, %scatter3A_360] : memref<4x4x8x129xf32, #tpu.memory_space<vmem>> -> memref<1x4x8x129xf32, #tpu.memory_space<vmem>>
        %scatter3A_362 = tpu.memref_squeeze %scatter3A_361 : memref<1x4x8x129xf32, #tpu.memory_space<vmem>> -> memref<4x8x129xf32, #tpu.memory_space<vmem>>
        tpu.vector_store_idx %scatter3A_362[%add3A_44, %rem3A_17, %broadcast_in_dim3A], %add3A_350 : memref<4x8x129xf32, #tpu.memory_space<vmem>>[vector<16xi32>, vector<16xi32>, vector<16xi32>], vector<16xf32>,
      }
      %scan3A_241 = arith.constant 128 : i32
      %lt3A_242 = arith.constant 48 : i32
      %lt3A_243 = arith.cmpi slt, %add3A_181, %lt3A_242 : i32
      %convert_element_type3A_244 = arith.extui %lt3A_243 : i1 to i32
      %cond3A_245 = arith.constant 0 : i32
      %cond3A_246 = arith.cmpi ne, %convert_element_type3A_244, %cond3A_245 : i32
      scf.if %cond3A_246 {
        %add3A_267 = arith.constant 2 : i32
        %add3A_268 = arith.addi %add3A_181, %add3A_267 : i32
        %dma_start3A_269 = arith.constant 0 : i32
        %dma_start3A_270 = tpu.memref_slice %arg6[%add3A_268, %dma_start3A_269] : memref<50x512xi32, #tpu.memory_space<vmem>> -> memref<1x512xi32, #tpu.memory_space<vmem>>
        %dma_start3A_271 = tpu.memref_squeeze %dma_start3A_270 : memref<1x512xi32, #tpu.memory_space<vmem>> -> memref<512xi32, #tpu.memory_space<vmem>>
        %dma_start3A_272 = arith.constant 0 : i32
        %dma_start3A_273 = arith.constant 0 : i32
        %dma_start3A_274 = tpu.memref_slice %arg3[%dma_start3A_272, %dma_start3A_273] : memref<1000000x32xf32, #tpu.memory_space<hbm>> -> memref<1000000x32xf32, #tpu.memory_space<hbm>>
        tpu.enqueue_indirect_dma source(%dma_start3A_274 : memref<1000000x32xf32, #tpu.memory_space<hbm>>) target(%arg8 : memref<512x32xf32, #tpu.memory_space<vmem>>) offsets(%dma_start3A_271 : memref<512xi32, #tpu.memory_space<vmem>>) semaphore(%arg13 : memref<!tpu.dma_semaphore, #tpu.memory_space<semaphore_mem>>)
      } else {
      }
      %dma_start3A_247 = arith.constant 0 : i32
      %dma_start3A_248 = arith.constant 0 : i32
      %dma_start3A_249 = arith.constant 0 : i32
      %dma_start3A_250 = arith.constant 0 : i32
      %dma_start3A_251 = tpu.memref_slice %arg10[%dma_start3A_247, %dma_start3A_248, %dma_start3A_249, %dma_start3A_250] : memref<4x4x8x129xf32, #tpu.memory_space<vmem>> -> memref<4x4x8x128xf32, #tpu.memory_space<vmem>>
      %dma_start3A_252 = arith.constant 0 : i32
      %dma_start3A_253 = arith.constant 0 : i32
      %dma_start3A_254 = arith.constant 0 : i32
      %dma_start3A_255 = tpu.memref_slice %arg5[%multiple_of3A_184, %dma_start3A_252, %add3A, %dma_start3A_253, %dma_start3A_254] : memref<200x4x32x8x128xf32, #tpu.memory_space<hbm>> -> memref<4x4x1x8x128xf32, #tpu.memory_space<hbm>>
      %dma_start3A_256 = tpu.memref_squeeze %dma_start3A_255 : memref<4x4x1x8x128xf32, #tpu.memory_space<hbm>> -> memref<4x4x8x128xf32, #tpu.memory_space<hbm>>
      %dma_start3A_257 = arith.constant 0 : i32
      %dma_start3A_258 = arith.constant 0 : i32
      %dma_start3A_259 = arith.constant 0 : i32
      %dma_start3A_260 = tpu.memref_slice %arg5[%multiple_of3A_184, %dma_start3A_257, %add3A, %dma_start3A_258, %dma_start3A_259] : memref<200x4x32x8x128xf32, #tpu.memory_space<hbm>> -> memref<4x4x1x8x128xf32, #tpu.memory_space<hbm>>
      %dma_start3A_261 = tpu.memref_squeeze %dma_start3A_260 : memref<4x4x1x8x128xf32, #tpu.memory_space<hbm>> -> memref<4x4x8x128xf32, #tpu.memory_space<hbm>>
      %dma_start3A_262 = arith.constant 0 : i32
      %dma_start3A_263 = arith.constant 0 : i32
      %dma_start3A_264 = arith.constant 0 : i32
      %dma_start3A_265 = arith.constant 0 : i32
      %dma_start3A_266 = tpu.memref_slice %arg10[%dma_start3A_262, %dma_start3A_263, %dma_start3A_264, %dma_start3A_265] : memref<4x4x8x129xf32, #tpu.memory_space<vmem>> -> memref<4x4x8x128xf32, #tpu.memory_space<vmem>>
      tpu.enqueue_dma source(%dma_start3A_266 : memref<4x4x8x128xf32, #tpu.memory_space<vmem>>) target(%dma_start3A_261 : memref<4x4x8x128xf32, #tpu.memory_space<hbm>>) target_semaphore(%arg15 : memref<!tpu.dma_semaphore, #tpu.memory_space<semaphore_mem>>)
    }
    %scan3A_49 = arith.constant 25 : i32
    %dma_wait3A = arith.constant 0 : i32
    %dma_wait3A_50 = arith.constant 0 : i32
    %dma_wait3A_51 = arith.constant 0 : i32
    %dma_wait3A_52 = arith.constant 0 : i32
    %dma_wait3A_53 = tpu.memref_slice %arg9[%dma_wait3A, %dma_wait3A_50, %dma_wait3A_51, %dma_wait3A_52] : memref<4x4x8x129xf32, #tpu.memory_space<vmem>> -> memref<4x4x8x128xf32, #tpu.memory_space<vmem>>
    %dma_wait3A_54 = arith.constant 0 : i32
    %dma_wait3A_55 = arith.constant 0 : i32
    %dma_wait3A_56 = arith.constant 0 : i32
    %dma_wait3A_57 = arith.constant 0 : i32
    %dma_wait3A_58 = tpu.memref_slice %arg5[%dma_wait3A_54, %dma_wait3A_55, %add3A, %dma_wait3A_56, %dma_wait3A_57] : memref<200x4x32x8x128xf32, #tpu.memory_space<hbm>> -> memref<4x4x1x8x128xf32, #tpu.memory_space<hbm>>
    %dma_wait3A_59 = tpu.memref_squeeze %dma_wait3A_58 : memref<4x4x1x8x128xf32, #tpu.memory_space<hbm>> -> memref<4x4x8x128xf32, #tpu.memory_space<hbm>>
    %dma_wait3A_60 = arith.constant 0 : i32
    %dma_wait3A_61 = arith.constant 0 : i32
    %dma_wait3A_62 = arith.constant 0 : i32
    %dma_wait3A_63 = arith.constant 0 : i32
    %dma_wait3A_64 = tpu.memref_slice %arg5[%dma_wait3A_60, %dma_wait3A_61, %add3A, %dma_wait3A_62, %dma_wait3A_63] : memref<200x4x32x8x128xf32, #tpu.memory_space<hbm>> -> memref<4x4x1x8x128xf32, #tpu.memory_space<hbm>>
    %dma_wait3A_65 = tpu.memref_squeeze %dma_wait3A_64 : memref<4x4x1x8x128xf32, #tpu.memory_space<hbm>> -> memref<4x4x8x128xf32, #tpu.memory_space<hbm>>
    %dma_wait3A_66 = arith.constant 0 : i32
    %dma_wait3A_67 = arith.constant 0 : i32
    %dma_wait3A_68 = arith.constant 0 : i32
    %dma_wait3A_69 = arith.constant 0 : i32
    %dma_wait3A_70 = tpu.memref_slice %arg9[%dma_wait3A_66, %dma_wait3A_67, %dma_wait3A_68, %dma_wait3A_69] : memref<4x4x8x129xf32, #tpu.memory_space<vmem>> -> memref<4x4x8x128xf32, #tpu.memory_space<vmem>>
    tpu.wait_dma2 semaphore(%arg14 : memref<!tpu.dma_semaphore, #tpu.memory_space<semaphore_mem>>) src(%dma_wait3A_70 : memref<4x4x8x128xf32, #tpu.memory_space<vmem>>) dst(%dma_wait3A_65 : memref<4x4x8x128xf32, #tpu.memory_space<hbm>>)
    %dma_wait3A_71 = arith.constant 0 : i32
    %dma_wait3A_72 = arith.constant 0 : i32
    %dma_wait3A_73 = arith.constant 0 : i32
    %dma_wait3A_74 = arith.constant 0 : i32
    %dma_wait3A_75 = tpu.memref_slice %arg10[%dma_wait3A_71, %dma_wait3A_72, %dma_wait3A_73, %dma_wait3A_74] : memref<4x4x8x129xf32, #tpu.memory_space<vmem>> -> memref<4x4x8x128xf32, #tpu.memory_space<vmem>>
    %dma_wait3A_76 = arith.constant 0 : i32
    %dma_wait3A_77 = arith.constant 0 : i32
    %dma_wait3A_78 = arith.constant 0 : i32
    %dma_wait3A_79 = arith.constant 0 : i32
    %dma_wait3A_80 = tpu.memref_slice %arg5[%dma_wait3A_76, %dma_wait3A_77, %add3A, %dma_wait3A_78, %dma_wait3A_79] : memref<200x4x32x8x128xf32, #tpu.memory_space<hbm>> -> memref<4x4x1x8x128xf32, #tpu.memory_space<hbm>>
    %dma_wait3A_81 = tpu.memref_squeeze %dma_wait3A_80 : memref<4x4x1x8x128xf32, #tpu.memory_space<hbm>> -> memref<4x4x8x128xf32, #tpu.memory_space<hbm>>
    %dma_wait3A_82 = arith.constant 0 : i32
    %dma_wait3A_83 = arith.constant 0 : i32
    %dma_wait3A_84 = arith.constant 0 : i32
    %dma_wait3A_85 = arith.constant 0 : i32
    %dma_wait3A_86 = tpu.memref_slice %arg5[%dma_wait3A_82, %dma_wait3A_83, %add3A, %dma_wait3A_84, %dma_wait3A_85] : memref<200x4x32x8x128xf32, #tpu.memory_space<hbm>> -> memref<4x4x1x8x128xf32, #tpu.memory_space<hbm>>
    %dma_wait3A_87 = tpu.memref_squeeze %dma_wait3A_86 : memref<4x4x1x8x128xf32, #tpu.memory_space<hbm>> -> memref<4x4x8x128xf32, #tpu.memory_space<hbm>>
    %dma_wait3A_88 = arith.constant 0 : i32
    %dma_wait3A_89 = arith.constant 0 : i32
    %dma_wait3A_90 = arith.constant 0 : i32
    %dma_wait3A_91 = arith.constant 0 : i32
    %dma_wait3A_92 = tpu.memref_slice %arg10[%dma_wait3A_88, %dma_wait3A_89, %dma_wait3A_90, %dma_wait3A_91] : memref<4x4x8x129xf32, #tpu.memory_space<vmem>> -> memref<4x4x8x128xf32, #tpu.memory_space<vmem>>
    tpu.wait_dma2 semaphore(%arg15 : memref<!tpu.dma_semaphore, #tpu.memory_space<semaphore_mem>>) src(%dma_wait3A_92 : memref<4x4x8x128xf32, #tpu.memory_space<vmem>>) dst(%dma_wait3A_87 : memref<4x4x8x128xf32, #tpu.memory_space<hbm>>)
    return
  }
}

</mosaic_0001>

<sc_bundles>
// kernel: kernel.3.cloned.1.call-start
scs
__scs_entry_jumppad:
0x0: {  	(pc) =	sbr.rel $0x88, $3  }
0x1: {  	(tag) =	ssettag $0x0;
	lr =	simm.s32 $0x1  }
0x2: {  	[smem:$0x3F9E] =	sst lr;
	_ =	strace $0xD0000000  }
0x3: {  	_ = 	snop  }
0x4: {  	_ = 	snop  }
0x5: {  	_ = 	snop  }
0x6: {  	_ = 	snop  }
0x7: {  	_ = 	snop  }
__scs_overlays_trampoline_lowered:
0x8: {  	[smem:$0x3FAD] =	sst s0  }
0x9: {  	[smem:$0x3FAE] =	sst s1  }
0xa: {  	[smem:$0x3FAF] =	sst s2  }
0xb: {  	[smem:$0x3FB0] =	sst s3  }
0xc: {  	[smem:$0x3FB1] =	sst s4  }
0xd: {  	[smem:$0x3FB2] =	sst s5  }
0xe: {  	[smem:$0x3FB3] =	sst s6  }
0xf: {  	[smem:$0x3FB4] =	sst s7  }
0x10: {  	[smem:$0x3FB5] =	sst s8  }
0x11: {  	[smem:$0x3FB6] =	sst s9;
	s0 =	simm.s32 @!p0 $0x0  }
0x12: {  	s1 =	sld [smem:$0x3F9C];
	s0 =	simm.s32 @p0 $0x1  }
0x13: {  	[smem:$0x3FB7] =	sst s0;
	s0 =	simm.s32 @!p1 $0x0  }
0x14: {  	s2 =	sld [smem:$0x3F9B];
	s0 =	simm.s32 @p1 $0x1  }
0x15: {  	[smem:$0x3FB8] =	sst s0;
	s0 =	simm.s32 @!p2 $0x0  }
0x16: {  	s3 =	sld [smem:$0x3FDB];
	s0 =	simm.s32 @p2 $0x1  }
0x17: {  	s4 =	simm.s32 $0x1BF5;
	[smem:$0x3FBA] =	sst s0  }
0x18: {  	s0 =	sld [smem:$0x3F9D];
	_ =	swait.ge [sflag:s4], $0x0  }
0x19: {  	s7 =	sld [smem:$0x3F9E]  }
0x1a: {  	s8 =	sadd.s32 $0xFFFFE003, lr  }
0x1b: {  	s9 =	sadd.s32 $0xFFFFFEF7, lr;
	s5 =	simm.s32 $0xFFFFFFFF;
	p2 =	slt.u32 s8, $0xFFFFF086  }
0x1c: {  	p1 =	slt.u32 s9, $0xF7A;
	s5 =	simm.s32 @!p2 $0x0  }
0x1d: {  	s5 =	simm.s32 @p1 $0x1;
	p0 =	seq.s32 s7, s2  }
0x1e: {  	s7 =	smul.u32 @!p0 $0xF7A, s2;
	p2 =	seq.s32 @!p0 s5, $0x0  }
0x1f: {  	s9 =	smul.u32 $0xF7A, s1;
	s8 =	simm.s32 @!p0 $0x1BF5;
	p2 =	por !p2, p0  }
0x20: {  	[sflag:s8] =	ssyncset.s32 @!p0 $0xFFFFF086;
	s6 =	sadd.s32 @!p0 s3, s7;
	s7 =	simm.s32 @!p0 $0x108  }
0x21: {  	s3 =	sadd.s32 s3, s9;
	s6 =	sadd.s32 @!p0 $0x88, s6;
	s7 =	simm.s32 @p2 $0x1082  }
0x22: {  	[simem:s7], [sflag:s8] =	dma.local @!p0 [hbm:s6], $0xF7A  }
0x23: {  	s9 =	sor.u32 $0xD0000000, s2;
	s6 =	simm.s32 $0x108;
	_ =	swait.ge @!p0 [sflag:s8], $0x0  }
0x24: {  	s3 =	sadd.s32 $0x88, s3;
	s6 =	simm.s32 @!p1 $0x1082;
	[sflag:s4] =	ssyncset.s32 $0xFFFFF086  }
0x25: {  	[simem:s6], [sflag:s4] =	dma.local [hbm:s3], $0xF7A  }
0x26: {  	[smem:$0x3F9E] =	sst s1;
	(tag) =	ssettag s2;
	_ =	strace s9  }
0x27: {  	s1 =	sld [smem:$0x3FAE]  }
0x28: {  	s2 =	sld [smem:$0x3FAF]  }
0x29: {  	s4 =	sld [smem:$0x3FB1]  }
0x2a: {  	p0 =	seq.s32 s5, $0x0;
	s5 =	sld [smem:$0x3FB2]  }
0x2b: {  	s6 =	sld [smem:$0x3FB3]  }
0x2c: {  	s7 =	sld [smem:$0x3FB4]  }
0x2d: {  	s3 =	simm.s32 $0x108;
	s8 =	sld [smem:$0x3FB5]  }
0x2e: {  	s3 =	simm.s32 @!p0 $0x1082;
	s9 =	sld [smem:$0x3FB6]  }
0x2f: {  	lr =	sadd.s32 s0, s3;
	s0 =	sld [smem:$0x3FAD]  }
0x30: {  	s3 =	sld [smem:$0x3FB0]  }
0x31: {  	[smem:$0x3FB9] =	sst s10  }
0x32: {  	s10 =	sld [smem:$0x3FB7];
	_ =	sdelay $0x3  }
0x33: {  	p0 =	seq.s32 s10, $0x1;
	s10 =	sld [smem:$0x3FB9];
	_ =	sdelay $0x3  }
0x34: {  	[smem:$0x3FB9] =	sst s10  }
0x35: {  	s10 =	sld [smem:$0x3FB8];
	_ =	sdelay $0x3  }
0x36: {  	p1 =	seq.s32 s10, $0x1;
	s10 =	sld [smem:$0x3FB9];
	_ =	sdelay $0x3  }
0x37: {  	[smem:$0x3FB9] =	sst s10  }
0x38: {  	s10 =	sld [smem:$0x3FBA]  }
0x39: {  	_ = 	snop;
	(pc) =	sbr.ind lr, $3  }
0x3a: {  	_ = 	snop  }
0x3b: {  	_ = 	snop  }
0x3c: {  	p2 =	seq.s32 s10, $0x1;
	s10 =	sld [smem:$0x3FB9]  }
0x3d: {  	_ =	shalt  }
0x3e: {  	_ =	shalt  }
0x3f: {  	_ =	shalt  }
0x40: {  	_ =	shalt  }
0x41: {  	_ =	shalt  }
0x42: {  	_ =	shalt  }
0x43: {  	_ =	shalt  }
0x44: {  	_ =	shalt  }
0x45: {  	_ =	shalt  }
0x46: {  	_ =	shalt  }
0x47: {  	_ =	shalt  }
0x48: {  	_ =	shalt  }
0x49: {  	_ =	shalt  }
0x4a: {  	_ =	shalt  }
0x4b: {  	_ =	shalt  }
0x4c: {  	_ =	shalt  }
0x4d: {  	_ =	shalt  }
0x4e: {  	_ =	shalt  }
0x4f: {  	_ =	shalt  }
0x50: {  	_ =	shalt  }
0x51: {  	_ =	shalt  }
0x52: {  	_ =	shalt  }
0x53: {  	_ =	shalt  }
0x54: {  	_ =	shalt  }
0x55: {  	_ =	shalt  }
0x56: {  	_ =	shalt  }
0x57: {  	_ =	shalt  }
0x58: {  	_ =	shalt  }
0x59: {  	_ =	shalt  }
0x5a: {  	_ =	shalt  }
0x5b: {  	_ =	shalt  }
0x5c: {  	_ =	shalt  }
0x5d: {  	_ =	shalt  }
0x5e: {  	_ =	shalt  }
0x5f: {  	_ =	shalt  }
0x60: {  	_ =	shalt  }
0x61: {  	_ =	shalt  }
0x62: {  	_ =	shalt  }
0x63: {  	_ =	shalt  }
0x64: {  	_ =	shalt  }
0x65: {  	_ =	shalt  }
0x66: {  	_ =	shalt  }
0x67: {  	_ =	shalt  }
0x68: {  	_ =	shalt  }
0x69: {  	_ =	shalt  }
0x6a: {  	_ =	shalt  }
0x6b: {  	_ =	shalt  }
0x6c: {  	_ =	shalt  }
0x6d: {  	_ =	shalt  }
0x6e: {  	_ =	shalt  }
0x6f: {  	_ =	shalt  }
0x70: {  	_ =	shalt  }
0x71: {  	_ =	shalt  }
0x72: {  	_ =	shalt  }
0x73: {  	_ =	shalt  }
0x74: {  	_ =	shalt  }
0x75: {  	_ =	shalt  }
0x76: {  	_ =	shalt  }
0x77: {  	_ =	shalt  }
0x78: {  	_ =	shalt  }
0x79: {  	_ =	shalt  }
0x7a: {  	_ =	shalt  }
0x7b: {  	_ =	shalt  }
0x7c: {  	_ =	shalt  }
0x7d: {  	_ =	shalt  }
0x7e: {  	_ =	shalt  }
0x7f: {  	_ =	shalt  }
0x80: {  	_ =	shalt  }
0x81: {  	_ =	shalt  }
0x82: {  	_ =	shalt  }
0x83: {  	_ =	shalt  }
0x84: {  	_ =	shalt  }
0x85: {  	_ =	shalt  }
0x86: {  	_ =	shalt  }
0x87: {  	_ =	shalt  }
.Lfunc_end0:
.L_simem_size_0:
called_computation_lowered:
.L_overlay_start_0:
0x88: {  	s2 =	sld [smem:$0x3FD9]  }
0x89: {  	s3 =	sld [smem:$0x3FFE];
	_ =	sdelay $0x1  }
0x8a: {  	s1 =	srdreg.scid  }
0x8b: {  	s0 =	sand.u32 $0x1, s1  }
0x8c: {  	s17 =	sshll.u32 s0, $0xA;
	s2 =	sadd.s32 s3, s2  }
0x8d: {  	s2 =	sadd.s32 s2, s17  }
0x8e: {  	[smem:$0x3FC5] =	sst s2  }
0x8f: {  	_ = 	snop  }
0x90: {  	s2 =	sld [smem:$0x3FD0];
	(tm) =	ssettm $0x1  }
0x91: {  	s18 =	sld [smem:$0x3FFB];
	_ =	sdelay $0x3  }
0x92: {  	_ =	strace s18  }
0x93: {  	s3 =	sld [smem:$0x3FFC];
	_ =	sdelay $0x3  }
0x94: {  	_ =	strace s3  }
0x95: {  	s3 =	sld [smem:$0x3FFD];
	_ =	sdelay $0x3  }
0x96: {  	_ =	strace s3  }
0x97: {  	_ =	strace $0x8FFFFFFF  }
0x98: {  	s19 =	sld [smem:$0x3FDB];
	_ =	sdelay $0x1  }
0x99: {  	s4 =	simm.s32 $_scs_section_size  }
0x9a: {  	s5 =	simm.s32 $_size__tile_overlayer_lowered;
	s6 =	simm.s32 $_tile_overlayer_lowered  }
0x9b: {  	s22 =	simm.s32 $0x1BFF;
	s21 =	sshll.u32 s6, $0x1;
	s3 =	sadd.s32 s4, s19  }
0x9c: {  	s7 =	simm.s32 $0x0;
	s20 =	sshll.u32 s5, $0x1;
	s5 =	sadd.s32 s21, s3  }
0x9d: {  	[timem:s7], [sflag:s22] =	dma.local [hbm:s5], s20  }
0x9e: {  	_ =	swait.ge [sflag:s22], s20  }
0x9f: {  	s4 =	ssub.s32 $0x0, s20;
	[sflag:s22] =	ssyncset.done $0x0  }
0xa0: {  	[sflag:s22] =	ssyncadd.s32 s4;
	_ =	sdelay $0x1  }
0xa1: {  	s23 =	simm.s32 $0x1B8B  }
0xa2: {  	_ =	swait.ge [sflag:s23], $0x1  }
0xa3: {  	[sflag:s23] =	ssyncset.done $0x0  }
0xa4: {  	s25 =	simm.s32 $0x1B8E;
	s24 =	sld [smem:$0x3FFE];
	[sflag:s23] =	ssyncadd.s32 $0xFFFFFFFF  }
0xa5: {  	s26 =	simm.s32 $execute0_lowered;
	[smem:$0x3FD2] =	sst s25  }
0xa6: {  	s5 =	sshll.u32 s26, $0x1;
	_ =	strace $0x80000046;
	[dreg:$0x1] =	wrdreg $0xFFFFFFFF  }
0xa7: {  	s28 =	simm.s32 $_size_execute0_lowered;
	s3 =	sadd.s32 s3, s5;
	[dreg:$0x0] =	wrdreg $0x0  }
0xa8: {  	s5 =	sshll.u32 s28, $0x1;
	[dreg:$0x2] =	wrdreg s3  }
0xa9: {  	[dreg:$0x3] =	wrdreg s5  }
0xaa: {  	[dreg:$0x4] =	wrdreg $0xC0  }
0xab: {  	_ =	task [dreg:s7], $0x5FFFF  }
0xac: {  	[dreg:$0x1] =	wrdreg $0xFFFFFFFF  }
0xad: {  	[dreg:$0x0] =	wrdreg $0x60  }
0xae: {  	[dreg:$0x2] =	wrdreg s24  }
0xaf: {  	[dreg:$0x3] =	wrdreg s2  }
0xb0: {  	[dreg:$0x4] =	wrdreg $0x9  }
0xb1: {  	_ =	task.clear_ibuf [dreg:s7], $0x5FFFF;
	_ =	strace $0x90000046  }
0xb2: {  	s29 =	simm.s32 $0x9;
	_ =	strace $0x80000048  }
0xb3: {  	_ =	swait.ge [sflag:s29], $0x1  }
0xb4: {  	[sflag:s29] =	ssyncadd.s32 $0xFFFFFFFF  }
0xb5: {  	_ =	strace $0x90000048  }
0xb6: {  	_ =	sfence  }
0xb7: {  	s30 =	sld [smem:$0x0];
	_ =	sdelay $0x2  }
0xb8: {  	s31 =	sshll.u32 s1, $0xD;
	s1 =	sshrl.u32 s1, $0x2  }
0xb9: {  	s3 =	sand.u32 $0x4000, s31;
	s1 =	sadd.s32 s1, s30  }
0xba: {  	s0 =	sor.u32 s3, s0;
	s1 =	sshll.u32 s1, $0x11  }
0xbb: {  	s0 =	sor.u32 s1, s0  }
0xbc: {  	s0 =	sadd.s32 $0x8F2B, s0  }
0xbd: {  	[sflag:s0] =	ssyncadd.remote.s32 $0x1  }
0xbe: {  	_ =	sfence.sel $0xFFFF  }
0xbf: {  	[dreg:$0x0] =	wrdreg $0xFFFFFFFF;
	(pc) =	sbr.abs _section_cstart, $3  }
0xc0: {  	[dreg:$0x1] =	wrdreg $0xFFFFFFFF  }
0xc1: {  	_ =	task.clear_ibuf [dreg:s7], $0x2FFFF;
	_ =	strace $0x9FFFFFFF  }
0xc2: {  	(tm) =	ssettm $0x7FFFFFFF  }
0xc3: {  	_ =	shalt  }
tec
execute0_lowered:
.L_overlay_start_1:
0x0: {  	(tag) =	ssettag $0x1  }
0x1: {  	s0 =	srdreg.scid;
	s2 =	stileid.u32  }
0x2: {  	s1 =	rddreg [dreg:$0x0];
	s10 =	simm.s32 $0x5;
	s11 =	simm.s32 $0x200  }
0x3: {  	s14 =	simm.s32 $0x1;
	s15 =	simm.s32 $0xE400;
	s16 =	simm.s32 $0xF500  }
0x4: {  	s17 =	simm.s32 $0x10600;
	s18 =	simm.s32 $0x11700;
	s19 =	simm.s32 $0x2  }
0x5: {  	s20 =	simm.s32 $0x12800;
	s21 =	simm.s32 $0x13900;
	s22 =	simm.s32 $0x14A00  }
0x6: {  	s23 =	simm.s32 $0x15B00;
	s24 =	simm.s32 $0x3;
	s25 =	simm.s32 $0x4  }
0x7: {  	s26 =	simm.s32 $0x0;
	s0 =	sand.u32 $0x1, s0;
	s3 =	sshll.u32 s2, $0x1  }
0x8: {  	s2 =	rddreg [dreg:$0x1];
	s5 =	sadd.s32 $0x19800, s1;
	s7 =	sor.u32 s0, s3  }
0x9: {  	v0 =	vlaneseq.u32;
	s3 =	simm.s32 $0x0;
	s0 =	ssub.s32 $0x2, s0;
	s4 =	smul.u32 $0xC80, s7  }
0xa: {  	v0 =	vmul.u32 $0x88, v0;
	[smem:$0x7FF] =	sst s3;
	s8 =	sshrl.u32 s0, $0x1;
	s7 =	sshll.u32 s7, $0xA  }
0xb: {  	_ =	strace $0x80000047;
	s0 =	ssub.s32 s0, s8;
	s6 =	sadd.s32 s4, s1  }
0xc: {  	v1 =	vadd.s32 $0x880, v0;
	s4 =	sadd.s32 $0xF42C00, s1;
	s8 =	smax.u32 s0, $0x1;
	s6 =	sadd.s32 $0x800, s6  }
.LBB2_1:
0xd: {  	s0 =	simm.s32 $0x16C00  }
0xe: {  	[tilespmem:s0], [sflag:$0x5] =	stream.linear.gather [hbm4b:s5+s3], $0x1900, $0x38;
	[tilespmem:$0x18500] =	vst v63  }
0xf: {  	_ =	swait.ge [sflag:s10], $0x1900  }
0x10: {  	[sflag:s10] =	ssyncset.done $0x0  }
0x11: {  	[sflag:s10] =	ssyncadd.s32 $0xFFFFE700  }
0x12: {  	[tilespmem:s3], [sflag:$0x5] =	stream.linear.gather [hbm4b:s6+s3], $0x6400, $0x38;
	[tilespmem:$0x18500] =	vst v63  }
0x13: {  	_ =	swait.ge [sflag:s10], $0x6400  }
0x14: {  	[sflag:s10] =	ssyncset.done $0x0  }
0x15: {  	s30 =	simm.s32 $0x6400;
	[sflag:s10] =	ssyncadd.s32 $0xFFFF9C00  }
0x16: {  	[tilespmem:s30], [sflag:$0x1] =	stream.indirect.gather [hbm4b:s4+s11], $0x20, s3, s11, $0xb8;
	[tilespmem:$0x18500] =	vst v63  }
0x17: {  	s31 =	simm.s32 $0xA400;
	s28 =	simm.s32 $0x0  }
0x18: {  	[tilespmem:s31], [sflag:$0x2] =	stream.indirect.gather [hbm4b:s4+s11], $0x20, s11, s11, $0xb8;
	[tilespmem:$0x18500] =	vst v63  }
.LBB2_2:
0x19: {  	_ =	swait.ge [sflag:s14], $0x4000  }
0x1a: {  	p0 =	seq.s32 s28, $0x0;
	[sflag:s14] =	ssyncset.done $0x0  }
0x1b: {  	s0 =	simm.s32 @!p0 $0x3;
	[sflag:s14] =	ssyncadd.s32 $0xFFFFC000  }
0x1c: {  	_ =	swait.ge @!p0 [sflag:s0], $0x4000  }
0x1d: {  	s1 =	sshll.u32 s28, $0x8;
	[sflag:s0] =	ssyncset.done @!p0 $0x0  }
0x1e: {  	s12 =	sand.u32 $0x3FFFFF00, s1;
	[sflag:s0] =	ssyncadd.s32 @!p0 $0xFFFFC000  }
0x1f: {  	v2 =	vld [tilespmem:s12+$0x16C00]  }
0x20: {  	s13 =	simm.s32 $0x0;
	s29 =	simm.s32 $0x8400;
	v3 =	vld [tilespmem:s12+$0x16C10]  }
0x21: {  	v5 =	vmov s13;
	v9 =	vld [tilespmem:s29+$0xFFFFE000]  }
0x22: {  	v7 =	vand.u32 $0x7F, v5;
	v11 =	vld [tilespmem:s29+$0xFFFFE010]  }
0x23: {  	v12 =	vadd.s32 v0, v7;
	v4 =	vld [tilespmem:s12+$0x16C20]  }
0x24: {  	v10 =	vadd.s32 v1, v7;
	v5 =	vld [tilespmem:s12+$0x16C30]  }
0x25: {  	v6 =	vld [tilespmem:s12+$0x16C40]  }
0x26: {  	v7 =	vld [tilespmem:s12+$0x16C50];
	v13 =	vadd.f32 v9, v2  }
0x27: {  	v8 =	vld [tilespmem:s12+$0x16C60];
	v11 =	vadd.f32 v11, v3  }
0x28: {  	v9 =	vld [tilespmem:s12+$0x16C70];
	[tilespmem:v12+s15+$0x0] =	vst.idx.msk $0xffff, v13  }
0x29: {  	[tilespmem:v10+s15+$0x0] =	vst.idx.msk $0xffff, v11  }
0x2a: {  	v11 =	vld [tilespmem:s29+$0xFFFFF000]  }
0x2b: {  	v13 =	vld [tilespmem:s29+$0xFFFFF010];
	_ =	sdelay $0x3  }
0x2c: {  	v11 =	vadd.f32 v11, v4  }
0x2d: {  	v13 =	vadd.f32 v13, v5  }
0x2e: {  	[tilespmem:v12+s16+$0x0] =	vst.idx.msk $0xffff, v11  }
0x2f: {  	[tilespmem:v10+s16+$0x0] =	vst.idx.msk $0xffff, v13  }
0x30: {  	v11 =	vld [tilespmem:s29+$0x0]  }
0x31: {  	v13 =	vld [tilespmem:s29+$0x10];
	_ =	sdelay $0x3  }
0x32: {  	v11 =	vadd.f32 v11, v6  }
0x33: {  	v13 =	vadd.f32 v13, v7  }
0x34: {  	[tilespmem:v12+s17+$0x0] =	vst.idx.msk $0xffff, v11  }
0x35: {  	[tilespmem:v10+s17+$0x0] =	vst.idx.msk $0xffff, v13  }
0x36: {  	v11 =	vld [tilespmem:s29+$0x1000];
	_ =	sdelay $0x1  }
0x37: {  	v13 =	vld [tilespmem:s29+$0x1010];
	_ =	sdelay $0x2  }
0x38: {  	v14 =	vadd.f32 v11, v8;
	_ =	sdelay $0x1  }
0x39: {  	s30 =	sshll.u32 s28, $0x1;
	s31 =	simm.s32 $0x1;
	v11 =	vadd.f32 v13, v9;
	[tilespmem:v12+s18+$0x0] =	vst.idx.msk $0xffff, v14  }
.LBB2_3:
0x3a: {  	p1 =	sne.s32 s31, $0x7F  }
0x3b: {  	[tilespmem:v10+s18+$0x0] =	vst.idx.msk $0xffff, v11;
	s29 =	sadd.s32 $0x20, s29;
	s0 =	smov.u32 s31;
	s31 =	sadd.s32 $0x1, s31  }
0x3c: {  	v10 =	vmov s0;
	v11 =	vld [tilespmem:s29+$0xFFFFE000]  }
0x3d: {  	v12 =	vld [tilespmem:s29+$0xFFFFE010];
	v10 =	vand.u32 $0x7F, v10  }
0x3e: {  	v13 =	vadd.s32 v0, v10  }
0x3f: {  	v10 =	vadd.s32 v1, v10;
	_ =	sdelay $0x1  }
0x40: {  	v11 =	vadd.f32 v11, v2  }
0x41: {  	v12 =	vadd.f32 v12, v3  }
0x42: {  	[tilespmem:v13+s15+$0x0] =	vst.idx.msk $0xffff, v11  }
0x43: {  	[tilespmem:v10+s15+$0x0] =	vst.idx.msk $0xffff, v12  }
0x44: {  	v11 =	vld [tilespmem:s29+$0xFFFFF000]  }
0x45: {  	v12 =	vld [tilespmem:s29+$0xFFFFF010];
	_ =	sdelay $0x3  }
0x46: {  	v11 =	vadd.f32 v11, v4  }
0x47: {  	v12 =	vadd.f32 v12, v5  }
0x48: {  	[tilespmem:v13+s16+$0x0] =	vst.idx.msk $0xffff, v11  }
0x49: {  	[tilespmem:v10+s16+$0x0] =	vst.idx.msk $0xffff, v12  }
0x4a: {  	v11 =	vld [tilespmem:s29+$0x0]  }
0x4b: {  	v12 =	vld [tilespmem:s29+$0x10];
	_ =	sdelay $0x3  }
0x4c: {  	v11 =	vadd.f32 v11, v6  }
0x4d: {  	v12 =	vadd.f32 v12, v7  }
0x4e: {  	[tilespmem:v13+s17+$0x0] =	vst.idx.msk $0xffff, v11  }
0x4f: {  	[tilespmem:v10+s17+$0x0] =	vst.idx.msk $0xffff, v12  }
0x50: {  	v11 =	vld [tilespmem:s29+$0x1000]  }
0x51: {  	v12 =	vld [tilespmem:s29+$0x1010];
	_ =	sdelay $0x1  }
.Ltmp0:
0x52: {  	(pc) =	sbr.rel @p1 .LBB2_3-.Ltmp0, $4  }
0x53: {  	_ = 	snop  }
0x54: {  	v14 =	vadd.f32 v11, v8  }
0x55: {  	v11 =	vadd.f32 v12, v9  }
0x56: {  	[tilespmem:v13+s18+$0x0] =	vst.idx.msk $0xffff, v14  }
0x57: {  	_ = 	snop  }
0x58: {  	p1 =	seq.s32 s28, $0x18  }
0x59: {  	s0 =	sshll.u32 @!p1 s28, $0xA  }
0x5a: {  	s12 =	sshll.u32 s28, $0x14;
	s29 =	sand.u32 @!p1 $0x3FFFFC00, s0  }
0x5b: {  	[tilespmem:v10+s18+$0x0] =	vst.idx.msk $0xffff, v11;
	s1 =	simm.s32 @!p1 $0x200;
	s9 =	simm.s32 @!p1 $0x6400;
	s0 =	sadd.s32 @!p1 $0x400, s29  }
0x5c: {  	[tilespmem:s9], [sflag:$0x1] =	stream.indirect.gather @!p1 [hbm4b:s4+s1], $0x20, s0, s1, $0xb8;
	[tilespmem:$0x18500] =	vst v63  }
0x5d: {  	s0 =	sor.u32 s7, s12  }
0x5e: {  	s0 =	sshrl.u32 s0, $0x3  }
0x5f: {  	s13 =	simm.s32 $0xE400;
	s31 =	sadd.s32 s2, s0  }
0x60: {  	[hbm4b:s31+s3] =	stream.linear.scatter [tilespmem:s13], [sflag:$0x3], $0x80, $0x38;
	[tilespmem:$0x18500] =	vst v63  }
0x61: {  	s1 =	simm.s32 $0xE488;
	s9 =	sadd.s32 $0x10, s31  }
0x62: {  	[hbm4b:s9+s3] =	stream.linear.scatter [tilespmem:s1], [sflag:$0x3], $0x80, $0x38;
	[tilespmem:$0x18500] =	vst v63  }
0x63: {  	s12 =	simm.s32 $0xE510;
	s13 =	sadd.s32 $0x20, s31  }
0x64: {  	[hbm4b:s13+s3] =	stream.linear.scatter [tilespmem:s12], [sflag:$0x3], $0x80, $0x38;
	[tilespmem:$0x18500] =	vst v63  }
0x65: {  	s1 =	simm.s32 $0xE598;
	s9 =	sadd.s32 $0x30, s31  }
0x66: {  	[hbm4b:s9+s3] =	stream.linear.scatter [tilespmem:s1], [sflag:$0x3], $0x80, $0x38;
	[tilespmem:$0x18500] =	vst v63  }
0x67: {  	s12 =	simm.s32 $0xE620;
	s13 =	sadd.s32 $0x40, s31  }
0x68: {  	[hbm4b:s13+s3] =	stream.linear.scatter [tilespmem:s12], [sflag:$0x3], $0x80, $0x38;
	[tilespmem:$0x18500] =	vst v63  }
0x69: {  	s0 =	simm.s32 $0x2200;
	s1 =	simm.s32 $0xE6A8;
	s9 =	sadd.s32 $0x50, s31  }
0x6a: {  	[hbm4b:s9+s3] =	stream.linear.scatter [tilespmem:s1], [sflag:$0x3], $0x80, $0x38;
	[tilespmem:$0x18500] =	vst v63  }
0x6b: {  	s12 =	simm.s32 $0xE730;
	s13 =	sadd.s32 $0x60, s31;
	s1 =	simm.s32 $0x440  }
0x6c: {  	[hbm4b:s13+s3] =	stream.linear.scatter [tilespmem:s12], [sflag:$0x3], $0x80, $0x38;
	[tilespmem:$0x18500] =	vst v63  }
0x6d: {  	s9 =	simm.s32 $0xE7B8;
	s12 =	sadd.s32 $0x70, s31;
	s31 =	sadd.s32 $0x1000, s31  }
.LBB2_5:
0x6e: {  	[hbm4b:s12+s3] =	stream.linear.scatter [tilespmem:s9], [sflag:$0x3], $0x80, $0x38;
	[tilespmem:$0x18500] =	vst v63  }
0x6f: {  	s9 =	smov.u32 s1;
	s1 =	smov.u32 s0  }
0x70: {  	s13 =	sadd.s32 $0x1100, s0;
	s1 =	sshra.s32 s1, $0x2;
	s12 =	sadd.s32 $0xE400, s9  }
0x71: {  	[hbm4b:s31+s3] =	stream.linear.scatter [tilespmem:s12], [sflag:$0x3], $0x80, $0x38;
	[tilespmem:$0x18500] =	vst v63  }
0x72: {  	p2 =	sne.s32 s0, $0xFF00;
	s0 =	sadd.s32 $0xE488, s9;
	s12 =	sadd.s32 $0x10, s31  }
0x73: {  	[hbm4b:s12+s3] =	stream.linear.scatter [tilespmem:s0], [sflag:$0x3], $0x80, $0x38;
	[tilespmem:$0x18500] =	vst v63  }
0x74: {  	s0 =	sadd.s32 $0xE510, s9;
	s12 =	sadd.s32 $0x20, s31  }
0x75: {  	[hbm4b:s12+s3] =	stream.linear.scatter [tilespmem:s0], [sflag:$0x3], $0x80, $0x38;
	[tilespmem:$0x18500] =	vst v63  }
0x76: {  	s0 =	sadd.s32 $0xE598, s9;
	s12 =	sadd.s32 $0x30, s31  }
0x77: {  	[hbm4b:s12+s3] =	stream.linear.scatter [tilespmem:s0], [sflag:$0x3], $0x80, $0x38;
	[tilespmem:$0x18500] =	vst v63  }
0x78: {  	s0 =	sadd.s32 $0xE620, s9;
	s12 =	sadd.s32 $0x40, s31  }
0x79: {  	[hbm4b:s12+s3] =	stream.linear.scatter [tilespmem:s0], [sflag:$0x3], $0x80, $0x38;
	[tilespmem:$0x18500] =	vst v63  }
.Ltmp1:
0x7a: {  	s0 =	sadd.s32 $0xE6A8, s9;
	s12 =	sadd.s32 $0x50, s31;
	(pc) =	sbr.rel @p2 .LBB2_5-.Ltmp1, $4  }
0x7b: {  	[hbm4b:s12+s3] =	stream.linear.scatter [tilespmem:s0], [sflag:$0x3], $0x80, $0x38;
	[tilespmem:$0x18500] =	vst v63  }
0x7c: {  	s0 =	sadd.s32 $0xE730, s9;
	s12 =	sadd.s32 $0x60, s31;
	s9 =	sadd.s32 $0xE7B8, s9  }
0x7d: {  	[hbm4b:s12+s3] =	stream.linear.scatter [tilespmem:s0], [sflag:$0x3], $0x80, $0x38;
	[tilespmem:$0x18500] =	vst v63  }
0x7e: {  	s12 =	sadd.s32 $0x70, s31;
	s31 =	sadd.s32 $0x1000, s31;
	s0 =	smov.u32 s13  }
0x7f: {  	[hbm4b:s12+s3] =	stream.linear.scatter [tilespmem:s9], [sflag:$0x3], $0x80, $0x38;
	[tilespmem:$0x18500] =	vst v63  }
0x80: {  	s0 =	sadd.s32 $0xE400, s1  }
0x81: {  	[hbm4b:s31+s3] =	stream.linear.scatter [tilespmem:s0], [sflag:$0x3], $0x80, $0x38;
	[tilespmem:$0x18500] =	vst v63  }
0x82: {  	s12 =	sadd.s32 $0xE488, s1;
	s13 =	sadd.s32 $0x10, s31  }
0x83: {  	[hbm4b:s13+s3] =	stream.linear.scatter [tilespmem:s12], [sflag:$0x3], $0x80, $0x38;
	[tilespmem:$0x18500] =	vst v63  }
0x84: {  	s12 =	sadd.s32 $0xE510, s1;
	s13 =	sadd.s32 $0x20, s31  }
0x85: {  	[hbm4b:s13+s3] =	stream.linear.scatter [tilespmem:s12], [sflag:$0x3], $0x80, $0x38;
	[tilespmem:$0x18500] =	vst v63  }
0x86: {  	s12 =	sadd.s32 $0xE598, s1;
	s13 =	sadd.s32 $0x30, s31  }
0x87: {  	[hbm4b:s13+s3] =	stream.linear.scatter [tilespmem:s12], [sflag:$0x3], $0x80, $0x38;
	[tilespmem:$0x18500] =	vst v63  }
0x88: {  	s12 =	sadd.s32 $0xE620, s1;
	s13 =	sadd.s32 $0x40, s31  }
0x89: {  	[hbm4b:s13+s3] =	stream.linear.scatter [tilespmem:s12], [sflag:$0x3], $0x80, $0x38;
	[tilespmem:$0x18500] =	vst v63  }
0x8a: {  	s12 =	sadd.s32 $0xE6A8, s1;
	s13 =	sadd.s32 $0x50, s31  }
0x8b: {  	[hbm4b:s13+s3] =	stream.linear.scatter [tilespmem:s12], [sflag:$0x3], $0x80, $0x38;
	[tilespmem:$0x18500] =	vst v63  }
0x8c: {  	s12 =	sadd.s32 $0xE730, s1;
	s13 =	sadd.s32 $0x60, s31  }
0x8d: {  	[hbm4b:s13+s3] =	stream.linear.scatter [tilespmem:s12], [sflag:$0x3], $0x80, $0x38;
	[tilespmem:$0x18500] =	vst v63  }
0x8e: {  	s12 =	sadd.s32 $0xE7B8, s1;
	s13 =	sadd.s32 $0x70, s31  }
0x8f: {  	[hbm4b:s13+s3] =	stream.linear.scatter [tilespmem:s12], [sflag:$0x3], $0x80, $0x38;
	[tilespmem:$0x18500] =	vst v63  }
0x90: {  	_ =	swait.ge [sflag:s19], $0x4000  }
0x91: {  	[sflag:s19] =	ssyncset.done $0x0  }
0x92: {  	s0 =	simm.s32 @!p0 $0x4;
	[sflag:s19] =	ssyncadd.s32 $0xFFFFC000  }
0x93: {  	s30 =	sor.u32 $0x1, s30;
	_ =	swait.ge @!p0 [sflag:s0], $0x4000  }
0x94: {  	s9 =	sshll.u32 s30, $0x7;
	[sflag:s0] =	ssyncset.done @!p0 $0x0  }
0x95: {  	s12 =	sand.u32 $0x3FFFFF80, s9;
	[sflag:s0] =	ssyncadd.s32 @!p0 $0xFFFFC000  }
0x96: {  	v2 =	vld [tilespmem:s12+$0x16C00]  }
0x97: {  	s31 =	simm.s32 $0xC400;
	s13 =	simm.s32 $0x0;
	v3 =	vld [tilespmem:s12+$0x16C10]  }
0x98: {  	v5 =	vmov s13;
	v9 =	vld [tilespmem:s31+$0xFFFFE000]  }
0x99: {  	v7 =	vand.u32 $0x7F, v5;
	v11 =	vld [tilespmem:s31+$0xFFFFE010]  }
0x9a: {  	v12 =	vadd.s32 v0, v7;
	v4 =	vld [tilespmem:s12+$0x16C20]  }
0x9b: {  	v10 =	vadd.s32 v1, v7;
	v5 =	vld [tilespmem:s12+$0x16C30]  }
0x9c: {  	v6 =	vld [tilespmem:s12+$0x16C40]  }
0x9d: {  	v7 =	vld [tilespmem:s12+$0x16C50];
	v13 =	vadd.f32 v9, v2  }
0x9e: {  	v8 =	vld [tilespmem:s12+$0x16C60];
	v11 =	vadd.f32 v11, v3  }
0x9f: {  	v9 =	vld [tilespmem:s12+$0x16C70];
	[tilespmem:v12+s20+$0x0] =	vst.idx.msk $0xffff, v13  }
0xa0: {  	[tilespmem:v10+s20+$0x0] =	vst.idx.msk $0xffff, v11  }
0xa1: {  	v11 =	vld [tilespmem:s31+$0xFFFFF000]  }
0xa2: {  	v13 =	vld [tilespmem:s31+$0xFFFFF010];
	_ =	sdelay $0x3  }
0xa3: {  	v11 =	vadd.f32 v11, v4  }
0xa4: {  	v13 =	vadd.f32 v13, v5  }
0xa5: {  	[tilespmem:v12+s21+$0x0] =	vst.idx.msk $0xffff, v11  }
0xa6: {  	[tilespmem:v10+s21+$0x0] =	vst.idx.msk $0xffff, v13  }
0xa7: {  	v11 =	vld [tilespmem:s31+$0x0]  }
0xa8: {  	v13 =	vld [tilespmem:s31+$0x10];
	_ =	sdelay $0x3  }
0xa9: {  	v11 =	vadd.f32 v11, v6  }
0xaa: {  	v13 =	vadd.f32 v13, v7  }
0xab: {  	[tilespmem:v12+s22+$0x0] =	vst.idx.msk $0xffff, v11  }
0xac: {  	[tilespmem:v10+s22+$0x0] =	vst.idx.msk $0xffff, v13  }
0xad: {  	v11 =	vld [tilespmem:s31+$0x1000];
	_ =	sdelay $0x1  }
0xae: {  	v13 =	vld [tilespmem:s31+$0x1010];
	_ =	sdelay $0x2  }
0xaf: {  	v14 =	vadd.f32 v11, v8;
	_ =	sdelay $0x1  }
0xb0: {  	s1 =	simm.s32 $0x1;
	v11 =	vadd.f32 v13, v9;
	[tilespmem:v12+s23+$0x0] =	vst.idx.msk $0xffff, v14  }
.LBB2_7:
0xb1: {  	p0 =	sne.s32 s1, $0x7F  }
0xb2: {  	[tilespmem:v10+s23+$0x0] =	vst.idx.msk $0xffff, v11;
	s31 =	sadd.s32 $0x20, s31;
	s0 =	smov.u32 s1;
	s1 =	sadd.s32 $0x1, s1  }
0xb3: {  	v10 =	vmov s0;
	v11 =	vld [tilespmem:s31+$0xFFFFE000]  }
0xb4: {  	v12 =	vld [tilespmem:s31+$0xFFFFE010];
	v10 =	vand.u32 $0x7F, v10  }
0xb5: {  	v13 =	vadd.s32 v0, v10  }
0xb6: {  	v10 =	vadd.s32 v1, v10;
	_ =	sdelay $0x1  }
0xb7: {  	v11 =	vadd.f32 v11, v2  }
0xb8: {  	v12 =	vadd.f32 v12, v3  }
0xb9: {  	[tilespmem:v13+s20+$0x0] =	vst.idx.msk $0xffff, v11  }
0xba: {  	[tilespmem:v10+s20+$0x0] =	vst.idx.msk $0xffff, v12  }
0xbb: {  	v11 =	vld [tilespmem:s31+$0xFFFFF000]  }
0xbc: {  	v12 =	vld [tilespmem:s31+$0xFFFFF010];
	_ =	sdelay $0x3  }
0xbd: {  	v11 =	vadd.f32 v11, v4  }
0xbe: {  	v12 =	vadd.f32 v12, v5  }
0xbf: {  	[tilespmem:v13+s21+$0x0] =	vst.idx.msk $0xffff, v11  }
0xc0: {  	[tilespmem:v10+s21+$0x0] =	vst.idx.msk $0xffff, v12  }
0xc1: {  	v11 =	vld [tilespmem:s31+$0x0]  }
0xc2: {  	v12 =	vld [tilespmem:s31+$0x10];
	_ =	sdelay $0x3  }
0xc3: {  	v11 =	vadd.f32 v11, v6  }
0xc4: {  	v12 =	vadd.f32 v12, v7  }
0xc5: {  	[tilespmem:v13+s22+$0x0] =	vst.idx.msk $0xffff, v11  }
0xc6: {  	[tilespmem:v10+s22+$0x0] =	vst.idx.msk $0xffff, v12  }
0xc7: {  	v11 =	vld [tilespmem:s31+$0x1000]  }
0xc8: {  	v12 =	vld [tilespmem:s31+$0x1010];
	_ =	sdelay $0x1  }
.Ltmp2:
0xc9: {  	(pc) =	sbr.rel @p0 .LBB2_7-.Ltmp2, $4  }
0xca: {  	_ = 	snop  }
0xcb: {  	v14 =	vadd.f32 v11, v8  }
0xcc: {  	v11 =	vadd.f32 v12, v9  }
0xcd: {  	[tilespmem:v13+s23+$0x0] =	vst.idx.msk $0xffff, v14  }
0xce: {  	_ =	sdelay $0x2  }
0xcf: {  	s0 =	sadd.s32 @!p1 $0x600, s29  }
0xd0: {  	[tilespmem:v10+s23+$0x0] =	vst.idx.msk $0xffff, v11;
	s1 =	simm.s32 @!p1 $0x200;
	s9 =	simm.s32 @!p1 $0xA400;
	s31 =	sshll.u32 s30, $0x13  }
0xd1: {  	[tilespmem:s9], [sflag:$0x2] =	stream.indirect.gather @!p1 [hbm4b:s4+s1], $0x20, s0, s1, $0xb8;
	[tilespmem:$0x18500] =	vst v63  }
0xd2: {  	s0 =	sor.u32 s7, s31  }
0xd3: {  	s0 =	sshrl.u32 s0, $0x3  }
0xd4: {  	s1 =	simm.s32 $0x12800;
	s13 =	sadd.s32 s2, s0  }
0xd5: {  	[hbm4b:s13+s3] =	stream.linear.scatter [tilespmem:s1], [sflag:$0x4], $0x80, $0x38;
	[tilespmem:$0x18500] =	vst v63  }
0xd6: {  	s9 =	simm.s32 $0x12888;
	s12 =	sadd.s32 $0x10, s13  }
0xd7: {  	[hbm4b:s12+s3] =	stream.linear.scatter [tilespmem:s9], [sflag:$0x4], $0x80, $0x38;
	[tilespmem:$0x18500] =	vst v63  }
0xd8: {  	s30 =	simm.s32 $0x12910;
	s0 =	simm.s32 $0x2200;
	s31 =	sadd.s32 $0x20, s13  }
0xd9: {  	[hbm4b:s31+s3] =	stream.linear.scatter [tilespmem:s30], [sflag:$0x4], $0x80, $0x38;
	[tilespmem:$0x18500] =	vst v63  }
0xda: {  	s1 =	simm.s32 $0x440;
	s9 =	simm.s32 $0x12998;
	s12 =	sadd.s32 $0x30, s13  }
0xdb: {  	[hbm4b:s12+s3] =	stream.linear.scatter [tilespmem:s9], [sflag:$0x4], $0x80, $0x38;
	[tilespmem:$0x18500] =	vst v63  }
0xdc: {  	s29 =	sadd.s32 $0x1000, s13;
	s30 =	simm.s32 $0x12A20;
	s31 =	sadd.s32 $0x40, s13  }
0xdd: {  	[hbm4b:s31+s3] =	stream.linear.scatter [tilespmem:s30], [sflag:$0x4], $0x80, $0x38;
	[tilespmem:$0x18500] =	vst v63  }
0xde: {  	s9 =	simm.s32 $0x12AA8;
	s12 =	sadd.s32 $0x50, s13;
	s30 =	simm.s32 $0x12B30  }
0xdf: {  	[hbm4b:s12+s3] =	stream.linear.scatter [tilespmem:s9], [sflag:$0x4], $0x80, $0x38;
	[tilespmem:$0x18500] =	vst v63  }
0xe0: {  	s31 =	sadd.s32 $0x60, s13;
	s9 =	simm.s32 $0x12BB8;
	s12 =	sadd.s32 $0x70, s13  }
0xe1: {  	[hbm4b:s31+s3] =	stream.linear.scatter [tilespmem:s30], [sflag:$0x4], $0x80, $0x38;
	[tilespmem:$0x18500] =	vst v63  }
.LBB2_9:
0xe2: {  	[hbm4b:s12+s3] =	stream.linear.scatter [tilespmem:s9], [sflag:$0x4], $0x80, $0x38;
	[tilespmem:$0x18500] =	vst v63  }
0xe3: {  	s9 =	smov.u32 s1;
	s1 =	smov.u32 s0  }
0xe4: {  	s13 =	sadd.s32 $0x1100, s0;
	s1 =	sshra.s32 s1, $0x2;
	s12 =	sadd.s32 $0x12800, s9  }
0xe5: {  	[hbm4b:s29+s3] =	stream.linear.scatter [tilespmem:s12], [sflag:$0x4], $0x80, $0x38;
	[tilespmem:$0x18500] =	vst v63  }
0xe6: {  	p0 =	sne.s32 s0, $0xFF00;
	s0 =	sadd.s32 $0x12888, s9;
	s12 =	sadd.s32 $0x10, s29  }
0xe7: {  	[hbm4b:s12+s3] =	stream.linear.scatter [tilespmem:s0], [sflag:$0x4], $0x80, $0x38;
	[tilespmem:$0x18500] =	vst v63  }
0xe8: {  	s0 =	sadd.s32 $0x12910, s9;
	s12 =	sadd.s32 $0x20, s29  }
0xe9: {  	[hbm4b:s12+s3] =	stream.linear.scatter [tilespmem:s0], [sflag:$0x4], $0x80, $0x38;
	[tilespmem:$0x18500] =	vst v63  }
0xea: {  	s0 =	sadd.s32 $0x12998, s9;
	s12 =	sadd.s32 $0x30, s29  }
0xeb: {  	[hbm4b:s12+s3] =	stream.linear.scatter [tilespmem:s0], [sflag:$0x4], $0x80, $0x38;
	[tilespmem:$0x18500] =	vst v63  }
0xec: {  	s0 =	sadd.s32 $0x12A20, s9;
	s12 =	sadd.s32 $0x40, s29  }
0xed: {  	[hbm4b:s12+s3] =	stream.linear.scatter [tilespmem:s0], [sflag:$0x4], $0x80, $0x38;
	[tilespmem:$0x18500] =	vst v63  }
.Ltmp3:
0xee: {  	s0 =	sadd.s32 $0x12AA8, s9;
	s12 =	sadd.s32 $0x50, s29;
	(pc) =	sbr.rel @p0 .LBB2_9-.Ltmp3, $4  }
0xef: {  	[hbm4b:s12+s3] =	stream.linear.scatter [tilespmem:s0], [sflag:$0x4], $0x80, $0x38;
	[tilespmem:$0x18500] =	vst v63  }
0xf0: {  	s0 =	sadd.s32 $0x12B30, s9;
	s12 =	sadd.s32 $0x60, s29;
	s9 =	sadd.s32 $0x12BB8, s9  }
0xf1: {  	[hbm4b:s12+s3] =	stream.linear.scatter [tilespmem:s0], [sflag:$0x4], $0x80, $0x38;
	[tilespmem:$0x18500] =	vst v63  }
0xf2: {  	s12 =	sadd.s32 $0x70, s29;
	s29 =	sadd.s32 $0x1000, s29;
	s0 =	smov.u32 s13  }
0xf3: {  	[hbm4b:s12+s3] =	stream.linear.scatter [tilespmem:s9], [sflag:$0x4], $0x80, $0x38;
	[tilespmem:$0x18500] =	vst v63  }
0xf4: {  	s0 =	sadd.s32 $0x12800, s1  }
0xf5: {  	[hbm4b:s29+s3] =	stream.linear.scatter [tilespmem:s0], [sflag:$0x4], $0x80, $0x38;
	[tilespmem:$0x18500] =	vst v63  }
0xf6: {  	s30 =	sadd.s32 $0x12888, s1;
	s31 =	sadd.s32 $0x10, s29  }
0xf7: {  	[hbm4b:s31+s3] =	stream.linear.scatter [tilespmem:s30], [sflag:$0x4], $0x80, $0x38;
	[tilespmem:$0x18500] =	vst v63  }
0xf8: {  	s12 =	sadd.s32 $0x12910, s1;
	s13 =	sadd.s32 $0x20, s29  }
0xf9: {  	[hbm4b:s13+s3] =	stream.linear.scatter [tilespmem:s12], [sflag:$0x4], $0x80, $0x38;
	[tilespmem:$0x18500] =	vst v63  }
0xfa: {  	s30 =	sadd.s32 $0x12998, s1;
	s31 =	sadd.s32 $0x30, s29  }
0xfb: {  	[hbm4b:s31+s3] =	stream.linear.scatter [tilespmem:s30], [sflag:$0x4], $0x80, $0x38;
	[tilespmem:$0x18500] =	vst v63  }
0xfc: {  	s28 =	sadd.s32 $0x1, s28;
	s12 =	sadd.s32 $0x12A20, s1;
	s13 =	sadd.s32 $0x40, s29  }
0xfd: {  	[hbm4b:s13+s3] =	stream.linear.scatter [tilespmem:s12], [sflag:$0x4], $0x80, $0x38;
	[tilespmem:$0x18500] =	vst v63  }
0xfe: {  	p0 =	sne.s32 s28, $0x19;
	s30 =	sadd.s32 $0x12AA8, s1;
	s31 =	sadd.s32 $0x50, s29  }
0xff: {  	[hbm4b:s31+s3] =	stream.linear.scatter [tilespmem:s30], [sflag:$0x4], $0x80, $0x38;
	[tilespmem:$0x18500] =	vst v63  }
.Ltmp4:
0x100: {  	_ = 	snop;
	(pc) =	sbr.rel @p0 .LBB2_2-.Ltmp4, $4  }
0x101: {  	s12 =	sadd.s32 $0x12B30, s1;
	s13 =	sadd.s32 $0x60, s29  }
0x102: {  	[hbm4b:s13+s3] =	stream.linear.scatter [tilespmem:s12], [sflag:$0x4], $0x80, $0x38;
	[tilespmem:$0x18500] =	vst v63  }
0x103: {  	s30 =	sadd.s32 $0x12BB8, s1;
	s31 =	sadd.s32 $0x70, s29  }
0x104: {  	[hbm4b:s31+s3] =	stream.linear.scatter [tilespmem:s30], [sflag:$0x4], $0x80, $0x38;
	[tilespmem:$0x18500] =	vst v63  }
0x105: {  	s26 =	sadd.s32 $0x1, s26  }
0x106: {  	_ =	swait.ge [sflag:s24], $0x4000;
	p0 =	sne.s32 s26, s8  }
.Ltmp5:
0x107: {  	[sflag:s24] =	ssyncset.done $0x0;
	(pc) =	sbr.rel @p0 .LBB2_1-.Ltmp5, $4  }
0x108: {  	[sflag:s24] =	ssyncadd.s32 $0xFFFFC000  }
0x109: {  	_ =	swait.ge [sflag:s25], $0x4000  }
0x10a: {  	[sflag:s25] =	ssyncset.done $0x0  }
0x10b: {  	[sflag:s25] =	ssyncadd.s32 $0xFFFFC000  }
0x10c: {  	_ =	sfence.sel $0x180000  }
0x10d: {  	[bflag:$0x0] =	sbarrier.arrive $0xFFFF  }
0x10e: {  	_ =	strace $0x90000047  }
0x10f: {  	s0 =	stileid.u32;
	[bflag:$0x2] =	sbarrier.arrive $0xFFFF  }
0x110: {  	p0 =	sne.s32 s0, $0x0;
	s0 =	rddreg [dreg:$0x2]  }
0x111: {  	s0 =	sadd.s32 @!p0 $0x100000, s0  }
0x112: {  	[sflag:s0] =	ssyncadd.tile.s32 @!p0 $0x1;
	_ =	shalt  }
.Lfunc_end2:
_tile_overlayer_lowered:
.L_overlay_start_2:
0x113: {  	(tag) =	ssettag $0x2  }
0x114: {  	s0 =	rddreg [dreg:$0x0];
	s2 =	stileid.u32  }
0x115: {  	s1 =	rddreg [dreg:$0x1];
	p0 =	sne.s32 s2, $0x0  }
0x116: {  	s3 =	rddreg [dreg:$0x2];
	[bflag:$0x3] =	sbarrier.arrive $0xFFFF;
	s2 =	simm.s32 @!p0 $0x1C05  }
0x117: {  	[timem:s3], [sflag:s2] =	dma.local @!p0 [hbm:s0], s1  }
0x118: {  	s0 =	simm.s32 @!p0 $0x5  }
0x119: {  	_ =	swait.ge @!p0 [sflag:s0], s1  }
0x11a: {  	s1 =	ssub.s32 @!p0 $0x0, s1;
	[sflag:s0] =	ssyncset.done @!p0 $0x0  }
0x11b: {  	[sflag:s0] =	ssyncadd.s32 @!p0 s1  }
0x11c: {  	[bflag:$0x3] =	sbarrier.arrive $0xFFFF  }
0x11d: {  	_ =	shalt  }

</sc_bundles>
